<compile_context>
chip_gen: v7x
topology: tpu7x:2x2x1
jax: 0.10.2.dev20260603
libtpu: 0.0.44.dev20260713+nightly
codegen_flags: <defaults>
</compile_context>

<pallas_src>
import functools

import jax
import jax.numpy as jnp
from jax import lax
from jax.experimental import pallas as pl
from jax.experimental.pallas import tpu as pltpu
from jax.experimental.pallas import tpu_sc as plsc

VOCAB = 1000000
D = 64
DPAD = 128
B = 4096
SEQ = 200
HALF = SEQ // 2

_info = plsc.get_sparse_core_info()
NC, NS, L = _info.num_cores, _info.num_subcores, _info.num_lanes
NW = NC * NS
SPW = B // NW
NCH = D // L


TBLK = 16384
VPAD = TBLK * ((VOCAB + TBLK - 1) // TBLK)


def _transpose_body(i_ref, o_ref):
    x = i_ref[...]
    eye = (lax.broadcasted_iota(jnp.int32, (DPAD, DPAD), 0)
           == lax.broadcasted_iota(jnp.int32, (DPAD, DPAD), 1)
           ).astype(jnp.float32)
    z = jnp.concatenate([x[:, 0:TBLK // 2], x[:, TBLK // 2:TBLK]], axis=0)
    o_ref[...] = lax.dot_general(z, eye, (((0,), (0,)), ((), ())),
                                 preferred_element_type=jnp.float32)


def _body(idx_hbm, table_hbm, out_hbm, idx_v, rows_v, out_v, sems):
    wid = lax.axis_index("s") * NC + lax.axis_index("c")
    base = wid * SPW

    pltpu.sync_copy(idx_hbm.at[pl.ds(base, SPW)], idx_v)

    def fire(seq, b):
        pltpu.async_copy(table_hbm.at[idx_v.at[seq, 0]], rows_v.at[b, 0],
                         sems.at[b])
        pltpu.async_copy(table_hbm.at[idx_v.at[seq, 1]], rows_v.at[b, 1],
                         sems.at[b])

    def drain(seq, b):
        pltpu.make_async_copy(table_hbm.at[idx_v.at[seq, 0]],
                              rows_v.at[b, 0], sems.at[b]).wait()
        pltpu.make_async_copy(table_hbm.at[idx_v.at[seq, 1]],
                              rows_v.at[b, 1], sems.at[b]).wait()

    fire(0, 0)

    @pl.loop(0, SPW, step=2)
    def _outer(s0):
        for b in range(2):
            seq = s0 + b
            nxt = seq + 1

            @pl.when(nxt < SPW)
            def _prefetch():
                fire(nxt, 1 - b)

            drain(seq, b)

            def red(r, accs):
                new = []
                for c in range(NCH):
                    a = accs[c]
                    a = a + rows_v[b, 0, r, pl.ds(L * c, L)]
                    a = a + rows_v[b, 1, r, pl.ds(L * c, L)]
                    new.append(a)
                return tuple(new)

            zeros = tuple(jnp.zeros((L,), jnp.float32) for _ in range(NCH))
            accs = lax.fori_loop(0, HALF, red, zeros)
            for c in range(NCH):
                pooled = accs[c] * (1.0 / SEQ)
                out_v[seq, pl.ds(L * c, L)] = 1.0 / (1.0 + jnp.exp(-pooled))

    pltpu.sync_copy(out_v, out_hbm.at[pl.ds(base, SPW)])


@functools.partial(jax.jit, static_argnums=())
def kernel(indices, embedding_weight):
    v = indices.astype(jnp.int32)
    m = (v // TBLK) * TBLK + (v % (TBLK // 2)) * 2 + (v % TBLK) // (TBLK // 2)
    idx3 = jnp.reshape(m, (B, 2, HALF))
    tbl_t = jnp.swapaxes(embedding_weight, 0, 1)
    tbl_pairs = pl.pallas_call(
        _transpose_body,
        grid=(VPAD // TBLK,),
        in_specs=[pl.BlockSpec((D, TBLK), lambda g: (0, g))],
        out_specs=pl.BlockSpec((TBLK // 2, DPAD), lambda g: (g, 0)),
        out_shape=jax.ShapeDtypeStruct((VPAD // 2, DPAD), jnp.float32),
    )(tbl_t)
    tbl = jnp.reshape(tbl_pairs, (VPAD, D))
    run = pl.kernel(
        _body,
        mesh=plsc.VectorSubcoreMesh(core_axis_name="c", subcore_axis_name="s"),
        compiler_params=pltpu.CompilerParams(use_tc_tiling_on_sc=False),
        out_type=jax.ShapeDtypeStruct((B, D), jnp.float32),
        scratch_types=[
            pltpu.VMEM((SPW, 2, HALF), jnp.int32),
            pltpu.VMEM((2, 2, HALF, D), jnp.float32),
            pltpu.VMEM((SPW, D), jnp.float32),
            pltpu.SemaphoreType.DMA((2,)),
        ],
    )
    return run(idx3, tbl)

# --- scband reference (transcript-rebuilt; emitter-appended) ---
"""Pipeline reference for scband-language-cortex-62294205662060 (READ-ONLY COPY).

The authoritative reference and input builder live on the scoring server;
editing this copy changes nothing except your own understanding.
"""

import jax, jax.numpy as jnp
import numpy as np

VOCAB = 1000000
TEXT_DIM = 64
BATCH = 4096
SEQ = 200

def setup_inputs(seed: int = 0) -> dict:
    key = jax.random.key(seed)
    k1, k2 = jax.random.split(key)
    indices = jax.random.randint(k1, (BATCH, SEQ), 0, VOCAB, dtype=jnp.int64 if jax.config.jax_enable_x64 else jnp.int32)
    # Original init orthonormalizes via QR; math of forward is init-agnostic, use scaled randn.
    embedding_weight = jax.random.normal(k2, (VOCAB, TEXT_DIM), dtype=jnp.float32) * (1.0 / np.sqrt(VOCAB))
    return {"indices": indices, "embedding_weight": embedding_weight}

def reference(indices, embedding_weight):
    # text_to_spikes, batched over sequences:
    # embeddings = self.embedding(indices); pooled = embeddings.mean(dim=0 per sequence); rates = sigmoid(pooled)
    embeddings = jnp.take(embedding_weight, indices, axis=0)          # [B, L, D] gather
    pooled = embeddings.mean(axis=1)                                   # [B, D]
    rates = jax.nn.sigmoid(pooled)                                     # [B, D]
    return rates

if __name__ == "__main__":
    import jax
    _d = setup_inputs()
    print(jax.jit(kernel)(*tuple(_d.values())))

</pallas_src>

<mosaic_0001>
#map = affine_map<(d0, d1) -> (0, 0, 0)>
#map1 = affine_map<(d0, d1) -> (0, 0)>
module attributes {stable_mosaic.version = 14 : i64} {
  func.func @_body(%arg0: i32, %arg1: i32, %arg2: memref<4096x2x100xi32, #tpu.memory_space<hbm>>, %arg3: memref<1015808x64xf32, #tpu.memory_space<hbm>>, %arg4: memref<4096x64xf32, #tpu.memory_space<hbm>>, %arg5: memref<128x2x100xi32, #tpu.memory_space<vmem>>, %arg6: memref<2x2x100x64xf32, #tpu.memory_space<vmem>>, %arg7: memref<128x64xf32, #tpu.memory_space<vmem>>, %arg8: memref<2x!tpu.dma_semaphore, #tpu.memory_space<semaphore_mem>>) attributes {dimension_semantics = [#tpu.dimension_semantics<core_parallel>, #tpu.dimension_semantics<subcore_parallel>], iteration_bounds = array<i64: 2, 16>, scalar_prefetch = 0 : i64, scratch_operands = 4 : i64, tpu.core_type = #tpu.core_type<sc_vector_subcore>, window_params = [{transform_indices = #map}, {transform_indices = #map1}, {transform_indices = #map1}]} {
    %mul3A = arith.constant 2 : i32
    %mul3A_0 = arith.muli %arg1, %mul3A : i32
    %add3A = arith.addi %mul3A_0, %arg0 : i32
    %mul3A_1 = arith.constant 128 : i32
    %mul3A_2 = arith.muli %add3A, %mul3A_1 : i32
    "tpu.region"() ({
      %run_scoped3A = tpu.sem_alloc : memref<!tpu.dma_semaphore, #tpu.memory_space<semaphore_mem>>
      %dma_start3A_40 = arith.constant 0 : i32
      %dma_start3A_41 = arith.constant 0 : i32
      %dma_start3A_42 = tpu.memref_slice %arg2[%mul3A_2, %dma_start3A_40, %dma_start3A_41] : memref<4096x2x100xi32, #tpu.memory_space<hbm>> -> memref<128x2x100xi32, #tpu.memory_space<hbm>>
      %dma_start3A_43 = arith.constant 0 : i32
      %dma_start3A_44 = arith.constant 0 : i32
      %dma_start3A_45 = tpu.memref_slice %arg2[%mul3A_2, %dma_start3A_43, %dma_start3A_44] : memref<4096x2x100xi32, #tpu.memory_space<hbm>> -> memref<128x2x100xi32, #tpu.memory_space<hbm>>
      tpu.enqueue_dma source(%dma_start3A_45 : memref<128x2x100xi32, #tpu.memory_space<hbm>>) target(%arg5 : memref<128x2x100xi32, #tpu.memory_space<vmem>>) target_semaphore(%run_scoped3A : memref<!tpu.dma_semaphore, #tpu.memory_space<semaphore_mem>>)
      %dma_wait3A = arith.constant 0 : i32
      %dma_wait3A_46 = arith.constant 0 : i32
      %dma_wait3A_47 = tpu.memref_slice %arg2[%mul3A_2, %dma_wait3A, %dma_wait3A_46] : memref<4096x2x100xi32, #tpu.memory_space<hbm>> -> memref<128x2x100xi32, #tpu.memory_space<hbm>>
      %dma_wait3A_48 = arith.constant 0 : i32
      %dma_wait3A_49 = arith.constant 0 : i32
      %dma_wait3A_50 = tpu.memref_slice %arg2[%mul3A_2, %dma_wait3A_48, %dma_wait3A_49] : memref<4096x2x100xi32, #tpu.memory_space<hbm>> -> memref<128x2x100xi32, #tpu.memory_space<hbm>>
      tpu.wait_dma2 semaphore(%run_scoped3A : memref<!tpu.dma_semaphore, #tpu.memory_space<semaphore_mem>>) src(%dma_wait3A_50 : memref<128x2x100xi32, #tpu.memory_space<hbm>>) dst(%arg5 : memref<128x2x100xi32, #tpu.memory_space<vmem>>)
      tpu.yield
    }) : () -> ()
    %dma_start3A = arith.constant 0 : i32
    %dma_start3A_3 = arith.constant 0 : i32
    %dma_start3A_4 = arith.constant 0 : i32
    %dma_start3A_5 = arith.constant 0 : i32
    %dma_start3A_6 = arith.constant 0 : i32
    %dma_start3A_7 = arith.constant 0 : i32
    %dma_start3A_8 = arith.constant 0 : i32
    %dma_start3A_9 = tpu.memref_slice %arg6[%dma_start3A_4, %dma_start3A_5, %dma_start3A_7, %dma_start3A_8] : memref<2x2x100x64xf32, #tpu.memory_space<vmem>> -> memref<1x1x100x64xf32, #tpu.memory_space<vmem>>
    %dma_start3A_10 = tpu.memref_squeeze %dma_start3A_9 : memref<1x1x100x64xf32, #tpu.memory_space<vmem>> -> memref<100x64xf32, #tpu.memory_space<vmem>>
    %dma_start3A_11 = arith.constant 0 : i32
    %dma_start3A_12 = tpu.memref_slice %arg5[%dma_start3A, %dma_start3A_3, %dma_start3A_11] : memref<128x2x100xi32, #tpu.memory_space<vmem>> -> memref<1x1x100xi32, #tpu.memory_space<vmem>>
    %dma_start3A_13 = tpu.memref_squeeze %dma_start3A_12 : memref<1x1x100xi32, #tpu.memory_space<vmem>> -> memref<100xi32, #tpu.memory_space<vmem>>
    %dma_start3A_14 = arith.constant 0 : i32
    %dma_start3A_15 = arith.constant 0 : i32
    %dma_start3A_16 = tpu.memref_slice %arg3[%dma_start3A_14, %dma_start3A_15] : memref<1015808x64xf32, #tpu.memory_space<hbm>> -> memref<1015808x64xf32, #tpu.memory_space<hbm>>
    %dma_start3A_17 = tpu.memref_slice %arg8[%dma_start3A_6] : memref<2x!tpu.dma_semaphore, #tpu.memory_space<semaphore_mem>> -> memref<1x!tpu.dma_semaphore, #tpu.memory_space<semaphore_mem>>
    %dma_start3A_18 = tpu.memref_squeeze %dma_start3A_17 : memref<1x!tpu.dma_semaphore, #tpu.memory_space<semaphore_mem>> -> memref<!tpu.dma_semaphore, #tpu.memory_space<semaphore_mem>>
    tpu.enqueue_indirect_dma source(%dma_start3A_16 : memref<1015808x64xf32, #tpu.memory_space<hbm>>) target(%dma_start3A_10 : memref<100x64xf32, #tpu.memory_space<vmem>>) offsets(%dma_start3A_13 : memref<100xi32, #tpu.memory_space<vmem>>) semaphore(%dma_start3A_18 : memref<!tpu.dma_semaphore, #tpu.memory_space<semaphore_mem>>)
    %dma_start3A_19 = arith.constant 0 : i32
    %dma_start3A_20 = arith.constant 1 : i32
    %dma_start3A_21 = arith.constant 0 : i32
    %dma_start3A_22 = arith.constant 1 : i32
    %dma_start3A_23 = arith.constant 0 : i32
    %dma_start3A_24 = arith.constant 0 : i32
    %dma_start3A_25 = arith.constant 0 : i32
    %dma_start3A_26 = tpu.memref_slice %arg6[%dma_start3A_21, %dma_start3A_22, %dma_start3A_24, %dma_start3A_25] : memref<2x2x100x64xf32, #tpu.memory_space<vmem>> -> memref<1x1x100x64xf32, #tpu.memory_space<vmem>>
    %dma_start3A_27 = tpu.memref_squeeze %dma_start3A_26 : memref<1x1x100x64xf32, #tpu.memory_space<vmem>> -> memref<100x64xf32, #tpu.memory_space<vmem>>
    %dma_start3A_28 = arith.constant 0 : i32
    %dma_start3A_29 = tpu.memref_slice %arg5[%dma_start3A_19, %dma_start3A_20, %dma_start3A_28] : memref<128x2x100xi32, #tpu.memory_space<vmem>> -> memref<1x1x100xi32, #tpu.memory_space<vmem>>
    %dma_start3A_30 = tpu.memref_squeeze %dma_start3A_29 : memref<1x1x100xi32, #tpu.memory_space<vmem>> -> memref<100xi32, #tpu.memory_space<vmem>>
    %dma_start3A_31 = arith.constant 0 : i32
    %dma_start3A_32 = arith.constant 0 : i32
    %dma_start3A_33 = tpu.memref_slice %arg3[%dma_start3A_31, %dma_start3A_32] : memref<1015808x64xf32, #tpu.memory_space<hbm>> -> memref<1015808x64xf32, #tpu.memory_space<hbm>>
    %dma_start3A_34 = tpu.memref_slice %arg8[%dma_start3A_23] : memref<2x!tpu.dma_semaphore, #tpu.memory_space<semaphore_mem>> -> memref<1x!tpu.dma_semaphore, #tpu.memory_space<semaphore_mem>>
    %dma_start3A_35 = tpu.memref_squeeze %dma_start3A_34 : memref<1x!tpu.dma_semaphore, #tpu.memory_space<semaphore_mem>> -> memref<!tpu.dma_semaphore, #tpu.memory_space<semaphore_mem>>
    tpu.enqueue_indirect_dma source(%dma_start3A_33 : memref<1015808x64xf32, #tpu.memory_space<hbm>>) target(%dma_start3A_27 : memref<100x64xf32, #tpu.memory_space<vmem>>) offsets(%dma_start3A_30 : memref<100xi32, #tpu.memory_space<vmem>>) semaphore(%dma_start3A_35 : memref<!tpu.dma_semaphore, #tpu.memory_space<semaphore_mem>>)
    %scan3A = arith.constant 0 : i32
    %scan3A_36 = arith.constant 64 : i32
    %scan3A_37 = arith.addi %scan3A, %scan3A_36 : i32
    %scan3A_38 = arith.constant 1 : i32
    scf.for %scan3A_40 = %scan3A to %scan3A_37 step %scan3A_38  : i32 {
      %mul3A_41 = arith.constant 2 : i32
      %mul3A_42 = arith.muli %scan3A_40, %mul3A_41 : i32
      %add3A_43 = arith.constant 0 : i32
      %add3A_44 = arith.addi %add3A_43, %mul3A_42 : i32
      %add3A_45 = arith.constant 0 : i32
      %add3A_46 = arith.addi %add3A_44, %add3A_45 : i32
      %add3A_47 = arith.constant 1 : i32
      %add3A_48 = arith.addi %add3A_46, %add3A_47 : i32
      %lt3A = arith.constant 128 : i32
      %lt3A_49 = arith.cmpi slt, %add3A_48, %lt3A : i32
      %convert_element_type3A = arith.extui %lt3A_49 : i1 to i32
      %cond3A = arith.constant 0 : i32
      %cond3A_50 = arith.cmpi ne, %convert_element_type3A, %cond3A : i32
      scf.if %cond3A_50 {
        %dma_start3A_290 = arith.constant 0 : i32
        %dma_start3A_291 = arith.constant 1 : i32
        %dma_start3A_292 = arith.constant 0 : i32
        %dma_start3A_293 = arith.constant 1 : i32
        %dma_start3A_294 = arith.constant 0 : i32
        %dma_start3A_295 = arith.constant 0 : i32
        %dma_start3A_296 = tpu.memref_slice %arg6[%dma_start3A_291, %dma_start3A_292, %dma_start3A_294, %dma_start3A_295] : memref<2x2x100x64xf32, #tpu.memory_space<vmem>> -> memref<1x1x100x64xf32, #tpu.memory_space<vmem>>
        %dma_start3A_297 = tpu.memref_squeeze %dma_start3A_296 : memref<1x1x100x64xf32, #tpu.memory_space<vmem>> -> memref<100x64xf32, #tpu.memory_space<vmem>>
        %dma_start3A_298 = arith.constant 0 : i32
        %dma_start3A_299 = tpu.memref_slice %arg5[%add3A_48, %dma_start3A_290, %dma_start3A_298] : memref<128x2x100xi32, #tpu.memory_space<vmem>> -> memref<1x1x100xi32, #tpu.memory_space<vmem>>
        %dma_start3A_300 = tpu.memref_squeeze %dma_start3A_299 : memref<1x1x100xi32, #tpu.memory_space<vmem>> -> memref<100xi32, #tpu.memory_space<vmem>>
        %dma_start3A_301 = arith.constant 0 : i32
        %dma_start3A_302 = arith.constant 0 : i32
        %dma_start3A_303 = tpu.memref_slice %arg3[%dma_start3A_301, %dma_start3A_302] : memref<1015808x64xf32, #tpu.memory_space<hbm>> -> memref<1015808x64xf32, #tpu.memory_space<hbm>>
        %dma_start3A_304 = tpu.memref_slice %arg8[%dma_start3A_293] : memref<2x!tpu.dma_semaphore, #tpu.memory_space<semaphore_mem>> -> memref<1x!tpu.dma_semaphore, #tpu.memory_space<semaphore_mem>>
        %dma_start3A_305 = tpu.memref_squeeze %dma_start3A_304 : memref<1x!tpu.dma_semaphore, #tpu.memory_space<semaphore_mem>> -> memref<!tpu.dma_semaphore, #tpu.memory_space<semaphore_mem>>
        tpu.enqueue_indirect_dma source(%dma_start3A_303 : memref<1015808x64xf32, #tpu.memory_space<hbm>>) target(%dma_start3A_297 : memref<100x64xf32, #tpu.memory_space<vmem>>) offsets(%dma_start3A_300 : memref<100xi32, #tpu.memory_space<vmem>>) semaphore(%dma_start3A_305 : memref<!tpu.dma_semaphore, #tpu.memory_space<semaphore_mem>>)
        %dma_start3A_306 = arith.constant 1 : i32
        %dma_start3A_307 = arith.constant 1 : i32
        %dma_start3A_308 = arith.constant 1 : i32
        %dma_start3A_309 = arith.constant 1 : i32
        %dma_start3A_310 = arith.constant 0 : i32
        %dma_start3A_311 = arith.constant 0 : i32
        %dma_start3A_312 = tpu.memref_slice %arg6[%dma_start3A_307, %dma_start3A_308, %dma_start3A_310, %dma_start3A_311] : memref<2x2x100x64xf32, #tpu.memory_space<vmem>> -> memref<1x1x100x64xf32, #tpu.memory_space<vmem>>
        %dma_start3A_313 = tpu.memref_squeeze %dma_start3A_312 : memref<1x1x100x64xf32, #tpu.memory_space<vmem>> -> memref<100x64xf32, #tpu.memory_space<vmem>>
        %dma_start3A_314 = arith.constant 0 : i32
        %dma_start3A_315 = tpu.memref_slice %arg5[%add3A_48, %dma_start3A_306, %dma_start3A_314] : memref<128x2x100xi32, #tpu.memory_space<vmem>> -> memref<1x1x100xi32, #tpu.memory_space<vmem>>
        %dma_start3A_316 = tpu.memref_squeeze %dma_start3A_315 : memref<1x1x100xi32, #tpu.memory_space<vmem>> -> memref<100xi32, #tpu.memory_space<vmem>>
        %dma_start3A_317 = arith.constant 0 : i32
        %dma_start3A_318 = arith.constant 0 : i32
        %dma_start3A_319 = tpu.memref_slice %arg3[%dma_start3A_317, %dma_start3A_318] : memref<1015808x64xf32, #tpu.memory_space<hbm>> -> memref<1015808x64xf32, #tpu.memory_space<hbm>>
        %dma_start3A_320 = tpu.memref_slice %arg8[%dma_start3A_309] : memref<2x!tpu.dma_semaphore, #tpu.memory_space<semaphore_mem>> -> memref<1x!tpu.dma_semaphore, #tpu.memory_space<semaphore_mem>>
        %dma_start3A_321 = tpu.memref_squeeze %dma_start3A_320 : memref<1x!tpu.dma_semaphore, #tpu.memory_space<semaphore_mem>> -> memref<!tpu.dma_semaphore, #tpu.memory_space<semaphore_mem>>
        tpu.enqueue_indirect_dma source(%dma_start3A_319 : memref<1015808x64xf32, #tpu.memory_space<hbm>>) target(%dma_start3A_313 : memref<100x64xf32, #tpu.memory_space<vmem>>) offsets(%dma_start3A_316 : memref<100xi32, #tpu.memory_space<vmem>>) semaphore(%dma_start3A_321 : memref<!tpu.dma_semaphore, #tpu.memory_space<semaphore_mem>>)
      } else {
      }
      %dma_wait3A = arith.constant 0 : i32
      %dma_wait3A_51 = arith.constant 0 : i32
      %dma_wait3A_52 = arith.constant 0 : i32
      %dma_wait3A_53 = arith.constant 0 : i32
      %dma_wait3A_54 = arith.constant 0 : i32
      %dma_wait3A_55 = arith.constant 0 : i32
      %dma_wait3A_56 = tpu.memref_slice %arg6[%dma_wait3A_51, %dma_wait3A_52, %dma_wait3A_54, %dma_wait3A_55] : memref<2x2x100x64xf32, #tpu.memory_space<vmem>> -> memref<1x1x100x64xf32, #tpu.memory_space<vmem>>
      %dma_wait3A_57 = tpu.memref_squeeze %dma_wait3A_56 : memref<1x1x100x64xf32, #tpu.memory_space<vmem>> -> memref<100x64xf32, #tpu.memory_space<vmem>>
      %dma_wait3A_58 = arith.constant 0 : i32
      %dma_wait3A_59 = tpu.memref_slice %arg5[%add3A_46, %dma_wait3A, %dma_wait3A_58] : memref<128x2x100xi32, #tpu.memory_space<vmem>> -> memref<1x1x100xi32, #tpu.memory_space<vmem>>
      %dma_wait3A_60 = tpu.memref_squeeze %dma_wait3A_59 : memref<1x1x100xi32, #tpu.memory_space<vmem>> -> memref<100xi32, #tpu.memory_space<vmem>>
      %dma_wait3A_61 = arith.constant 0 : i32
      %dma_wait3A_62 = arith.constant 0 : i32
      %dma_wait3A_63 = tpu.memref_slice %arg3[%dma_wait3A_61, %dma_wait3A_62] : memref<1015808x64xf32, #tpu.memory_space<hbm>> -> memref<1015808x64xf32, #tpu.memory_space<hbm>>
      %dma_wait3A_64 = tpu.memref_slice %arg8[%dma_wait3A_53] : memref<2x!tpu.dma_semaphore, #tpu.memory_space<semaphore_mem>> -> memref<1x!tpu.dma_semaphore, #tpu.memory_space<semaphore_mem>>
      %dma_wait3A_65 = tpu.memref_squeeze %dma_wait3A_64 : memref<1x!tpu.dma_semaphore, #tpu.memory_space<semaphore_mem>> -> memref<!tpu.dma_semaphore, #tpu.memory_space<semaphore_mem>>
      tpu.wait_indirect_dma semaphore(%dma_wait3A_65 : memref<!tpu.dma_semaphore, #tpu.memory_space<semaphore_mem>>) src(%dma_wait3A_63 : memref<1015808x64xf32, #tpu.memory_space<hbm>>) dst(%dma_wait3A_57 : memref<100x64xf32, #tpu.memory_space<vmem>>)
      %dma_wait3A_66 = arith.constant 1 : i32
      %dma_wait3A_67 = arith.constant 0 : i32
      %dma_wait3A_68 = arith.constant 1 : i32
      %dma_wait3A_69 = arith.constant 0 : i32
      %dma_wait3A_70 = arith.constant 0 : i32
      %dma_wait3A_71 = arith.constant 0 : i32
      %dma_wait3A_72 = tpu.memref_slice %arg6[%dma_wait3A_67, %dma_wait3A_68, %dma_wait3A_70, %dma_wait3A_71] : memref<2x2x100x64xf32, #tpu.memory_space<vmem>> -> memref<1x1x100x64xf32, #tpu.memory_space<vmem>>
      %dma_wait3A_73 = tpu.memref_squeeze %dma_wait3A_72 : memref<1x1x100x64xf32, #tpu.memory_space<vmem>> -> memref<100x64xf32, #tpu.memory_space<vmem>>
      %dma_wait3A_74 = arith.constant 0 : i32
      %dma_wait3A_75 = tpu.memref_slice %arg5[%add3A_46, %dma_wait3A_66, %dma_wait3A_74] : memref<128x2x100xi32, #tpu.memory_space<vmem>> -> memref<1x1x100xi32, #tpu.memory_space<vmem>>
      %dma_wait3A_76 = tpu.memref_squeeze %dma_wait3A_75 : memref<1x1x100xi32, #tpu.memory_space<vmem>> -> memref<100xi32, #tpu.memory_space<vmem>>
      %dma_wait3A_77 = arith.constant 0 : i32
      %dma_wait3A_78 = arith.constant 0 : i32
      %dma_wait3A_79 = tpu.memref_slice %arg3[%dma_wait3A_77, %dma_wait3A_78] : memref<1015808x64xf32, #tpu.memory_space<hbm>> -> memref<1015808x64xf32, #tpu.memory_space<hbm>>
      %dma_wait3A_80 = tpu.memref_slice %arg8[%dma_wait3A_69] : memref<2x!tpu.dma_semaphore, #tpu.memory_space<semaphore_mem>> -> memref<1x!tpu.dma_semaphore, #tpu.memory_space<semaphore_mem>>
      %dma_wait3A_81 = tpu.memref_squeeze %dma_wait3A_80 : memref<1x!tpu.dma_semaphore, #tpu.memory_space<semaphore_mem>> -> memref<!tpu.dma_semaphore, #tpu.memory_space<semaphore_mem>>
      tpu.wait_indirect_dma semaphore(%dma_wait3A_81 : memref<!tpu.dma_semaphore, #tpu.memory_space<semaphore_mem>>) src(%dma_wait3A_79 : memref<1015808x64xf32, #tpu.memory_space<hbm>>) dst(%dma_wait3A_73 : memref<100x64xf32, #tpu.memory_space<vmem>>)
      %broadcast_in_dim3A = arith.constant 0.000000e+00 : f32
      %broadcast_in_dim3A_82 = vector.broadcast %broadcast_in_dim3A : f32 to vector<16xf32>
      %broadcast_in_dim3A_83 = arith.constant 0.000000e+00 : f32
      %broadcast_in_dim3A_84 = vector.broadcast %broadcast_in_dim3A_83 : f32 to vector<16xf32>
      %broadcast_in_dim3A_85 = arith.constant 0.000000e+00 : f32
      %broadcast_in_dim3A_86 = vector.broadcast %broadcast_in_dim3A_85 : f32 to vector<16xf32>
      %broadcast_in_dim3A_87 = arith.constant 0.000000e+00 : f32
      %broadcast_in_dim3A_88 = vector.broadcast %broadcast_in_dim3A_87 : f32 to vector<16xf32>
      %scan3A_89 = arith.constant 0 : i32
      %scan3A_90 = arith.constant 100 : i32
      %scan3A_91 = arith.addi %scan3A_89, %scan3A_90 : i32
      %scan3A_92 = arith.constant 1 : i32
      %scan3A_93:4 = scf.for %scan3A_290 = %scan3A_89 to %scan3A_91 step %scan3A_92 iter_args(%scan3A_291 = %broadcast_in_dim3A_82, %scan3A_292 = %broadcast_in_dim3A_84, %scan3A_293 = %broadcast_in_dim3A_86, %scan3A_294 = %broadcast_in_dim3A_88) -> (vector<16xf32>, vector<16xf32>, vector<16xf32>, vector<16xf32>)  : i32 {
        %get3A = arith.constant 0 : i32
        %get3A_295 = arith.constant 0 : i32
        %get3A_296 = arith.index_cast %get3A : i32 to index
        %get3A_297 = arith.index_cast %get3A_295 : i32 to index
        %get3A_298 = arith.index_cast %scan3A_290 : i32 to index
        %get3A_299 = arith.constant 0 : index
        %get3A_300 = tpu.vector_load %arg6[%get3A_296, %get3A_297, %get3A_298, %get3A_299] {strides = array<i32>} : memref<2x2x100x64xf32, #tpu.memory_space<vmem>>, vector<1x1x1x16xf32>,
        %get3A_301 = vector.shape_cast %get3A_300 : vector<1x1x1x16xf32> to vector<16xf32>
        %add3A_302 = arith.addf %scan3A_291, %get3A_301 : vector<16xf32>
        %get3A_303 = arith.constant 0 : i32
        %get3A_304 = arith.constant 1 : i32
        %get3A_305 = arith.index_cast %get3A_303 : i32 to index
        %get3A_306 = arith.index_cast %get3A_304 : i32 to index
        %get3A_307 = arith.index_cast %scan3A_290 : i32 to index
        %get3A_308 = arith.constant 0 : index
        %get3A_309 = tpu.vector_load %arg6[%get3A_305, %get3A_306, %get3A_307, %get3A_308] {strides = array<i32>} : memref<2x2x100x64xf32, #tpu.memory_space<vmem>>, vector<1x1x1x16xf32>,
        %get3A_310 = vector.shape_cast %get3A_309 : vector<1x1x1x16xf32> to vector<16xf32>
        %add3A_311 = arith.addf %add3A_302, %get3A_310 : vector<16xf32>
        %get3A_312 = arith.constant 0 : i32
        %get3A_313 = arith.constant 0 : i32
        %get3A_314 = arith.index_cast %get3A_312 : i32 to index
        %get3A_315 = arith.index_cast %get3A_313 : i32 to index
        %get3A_316 = arith.index_cast %scan3A_290 : i32 to index
        %get3A_317 = arith.constant 16 : index
        %get3A_318 = tpu.vector_load %arg6[%get3A_314, %get3A_315, %get3A_316, %get3A_317] {strides = array<i32>} : memref<2x2x100x64xf32, #tpu.memory_space<vmem>>, vector<1x1x1x16xf32>,
        %get3A_319 = vector.shape_cast %get3A_318 : vector<1x1x1x16xf32> to vector<16xf32>
        %add3A_320 = arith.addf %scan3A_292, %get3A_319 : vector<16xf32>
        %get3A_321 = arith.constant 0 : i32
        %get3A_322 = arith.constant 1 : i32
        %get3A_323 = arith.index_cast %get3A_321 : i32 to index
        %get3A_324 = arith.index_cast %get3A_322 : i32 to index
        %get3A_325 = arith.index_cast %scan3A_290 : i32 to index
        %get3A_326 = arith.constant 16 : index
        %get3A_327 = tpu.vector_load %arg6[%get3A_323, %get3A_324, %get3A_325, %get3A_326] {strides = array<i32>} : memref<2x2x100x64xf32, #tpu.memory_space<vmem>>, vector<1x1x1x16xf32>,
        %get3A_328 = vector.shape_cast %get3A_327 : vector<1x1x1x16xf32> to vector<16xf32>
        %add3A_329 = arith.addf %add3A_320, %get3A_328 : vector<16xf32>
        %get3A_330 = arith.constant 0 : i32
        %get3A_331 = arith.constant 0 : i32
        %get3A_332 = arith.index_cast %get3A_330 : i32 to index
        %get3A_333 = arith.index_cast %get3A_331 : i32 to index
        %get3A_334 = arith.index_cast %scan3A_290 : i32 to index
        %get3A_335 = arith.constant 32 : index
        %get3A_336 = tpu.vector_load %arg6[%get3A_332, %get3A_333, %get3A_334, %get3A_335] {strides = array<i32>} : memref<2x2x100x64xf32, #tpu.memory_space<vmem>>, vector<1x1x1x16xf32>,
        %get3A_337 = vector.shape_cast %get3A_336 : vector<1x1x1x16xf32> to vector<16xf32>
        %add3A_338 = arith.addf %scan3A_293, %get3A_337 : vector<16xf32>
        %get3A_339 = arith.constant 0 : i32
        %get3A_340 = arith.constant 1 : i32
        %get3A_341 = arith.index_cast %get3A_339 : i32 to index
        %get3A_342 = arith.index_cast %get3A_340 : i32 to index
        %get3A_343 = arith.index_cast %scan3A_290 : i32 to index
        %get3A_344 = arith.constant 32 : index
        %get3A_345 = tpu.vector_load %arg6[%get3A_341, %get3A_342, %get3A_343, %get3A_344] {strides = array<i32>} : memref<2x2x100x64xf32, #tpu.memory_space<vmem>>, vector<1x1x1x16xf32>,
        %get3A_346 = vector.shape_cast %get3A_345 : vector<1x1x1x16xf32> to vector<16xf32>
        %add3A_347 = arith.addf %add3A_338, %get3A_346 : vector<16xf32>
        %get3A_348 = arith.constant 0 : i32
        %get3A_349 = arith.constant 0 : i32
        %get3A_350 = arith.index_cast %get3A_348 : i32 to index
        %get3A_351 = arith.index_cast %get3A_349 : i32 to index
        %get3A_352 = arith.index_cast %scan3A_290 : i32 to index
        %get3A_353 = arith.constant 48 : index
        %get3A_354 = tpu.vector_load %arg6[%get3A_350, %get3A_351, %get3A_352, %get3A_353] {strides = array<i32>} : memref<2x2x100x64xf32, #tpu.memory_space<vmem>>, vector<1x1x1x16xf32>,
        %get3A_355 = vector.shape_cast %get3A_354 : vector<1x1x1x16xf32> to vector<16xf32>
        %add3A_356 = arith.addf %scan3A_294, %get3A_355 : vector<16xf32>
        %get3A_357 = arith.constant 0 : i32
        %get3A_358 = arith.constant 1 : i32
        %get3A_359 = arith.index_cast %get3A_357 : i32 to index
        %get3A_360 = arith.index_cast %get3A_358 : i32 to index
        %get3A_361 = arith.index_cast %scan3A_290 : i32 to index
        %get3A_362 = arith.constant 48 : index
        %get3A_363 = tpu.vector_load %arg6[%get3A_359, %get3A_360, %get3A_361, %get3A_362] {strides = array<i32>} : memref<2x2x100x64xf32, #tpu.memory_space<vmem>>, vector<1x1x1x16xf32>,
        %get3A_364 = vector.shape_cast %get3A_363 : vector<1x1x1x16xf32> to vector<16xf32>
        %add3A_365 = arith.addf %add3A_356, %get3A_364 : vector<16xf32>
        scf.yield %add3A_311, %add3A_329, %add3A_347, %add3A_365 : vector<16xf32>, vector<16xf32>, vector<16xf32>, vector<16xf32>
      }
      %scan3A_94 = arith.constant 100 : i32
      %mul3A_95 = arith.constant 5.000000e-03 : f32
      %mul3A_96 = vector.broadcast %mul3A_95 : f32 to vector<16xf32>
      %mul3A_97 = arith.mulf %scan3A_93#0, %mul3A_96 : vector<16xf32>
      %neg3A = arith.constant 0.000000e+00 : f32
      %neg3A_98 = vector.broadcast %neg3A : f32 to vector<16xf32>
      %neg3A_99 = arith.subf %neg3A_98, %mul3A_97 : vector<16xf32>
      %exp3A = math.exp %neg3A_99 : vector<16xf32>
      %add3A_100 = arith.constant 1.000000e+00 : f32
      %add3A_101 = vector.broadcast %add3A_100 : f32 to vector<16xf32>
      %add3A_102 = arith.addf %add3A_101, %exp3A : vector<16xf32>
      %div3A = arith.constant 1.000000e+00 : f32
      %div3A_103 = vector.broadcast %div3A : f32 to vector<16xf32>
      %div3A_104 = arith.divf %div3A_103, %add3A_102 : vector<16xf32>
      %swap3A = arith.index_cast %add3A_46 : i32 to index
      %swap3A_105 = arith.constant 0 : index
      %swap3A_106 = tpu.vector_load %arg7[%swap3A, %swap3A_105] {strides = array<i32>} : memref<128x64xf32, #tpu.memory_space<vmem>>, vector<1x16xf32>,
      %swap3A_107 = vector.shape_cast %swap3A_106 : vector<1x16xf32> to vector<16xf32>
      %swap3A_108 = vector.shape_cast %div3A_104 : vector<16xf32> to vector<1x16xf32>
      tpu.vector_store %arg7[%swap3A, %swap3A_105], %swap3A_108 {strides = array<i32>} : memref<128x64xf32, #tpu.memory_space<vmem>>, vector<1x16xf32>,
      %mul3A_109 = arith.constant 5.000000e-03 : f32
      %mul3A_110 = vector.broadcast %mul3A_109 : f32 to vector<16xf32>
      %mul3A_111 = arith.mulf %scan3A_93#1, %mul3A_110 : vector<16xf32>
      %neg3A_112 = arith.constant 0.000000e+00 : f32
      %neg3A_113 = vector.broadcast %neg3A_112 : f32 to vector<16xf32>
      %neg3A_114 = arith.subf %neg3A_113, %mul3A_111 : vector<16xf32>
      %exp3A_115 = math.exp %neg3A_114 : vector<16xf32>
      %add3A_116 = arith.constant 1.000000e+00 : f32
      %add3A_117 = vector.broadcast %add3A_116 : f32 to vector<16xf32>
      %add3A_118 = arith.addf %add3A_117, %exp3A_115 : vector<16xf32>
      %div3A_119 = arith.constant 1.000000e+00 : f32
      %div3A_120 = vector.broadcast %div3A_119 : f32 to vector<16xf32>
      %div3A_121 = arith.divf %div3A_120, %add3A_118 : vector<16xf32>
      %swap3A_122 = arith.index_cast %add3A_46 : i32 to index
      %swap3A_123 = arith.constant 16 : index
      %swap3A_124 = tpu.vector_load %arg7[%swap3A_122, %swap3A_123] {strides = array<i32>} : memref<128x64xf32, #tpu.memory_space<vmem>>, vector<1x16xf32>,
      %swap3A_125 = vector.shape_cast %swap3A_124 : vector<1x16xf32> to vector<16xf32>
      %swap3A_126 = vector.shape_cast %div3A_121 : vector<16xf32> to vector<1x16xf32>
      tpu.vector_store %arg7[%swap3A_122, %swap3A_123], %swap3A_126 {strides = array<i32>} : memref<128x64xf32, #tpu.memory_space<vmem>>, vector<1x16xf32>,
      %mul3A_127 = arith.constant 5.000000e-03 : f32
      %mul3A_128 = vector.broadcast %mul3A_127 : f32 to vector<16xf32>
      %mul3A_129 = arith.mulf %scan3A_93#2, %mul3A_128 : vector<16xf32>
      %neg3A_130 = arith.constant 0.000000e+00 : f32
      %neg3A_131 = vector.broadcast %neg3A_130 : f32 to vector<16xf32>
      %neg3A_132 = arith.subf %neg3A_131, %mul3A_129 : vector<16xf32>
      %exp3A_133 = math.exp %neg3A_132 : vector<16xf32>
      %add3A_134 = arith.constant 1.000000e+00 : f32
      %add3A_135 = vector.broadcast %add3A_134 : f32 to vector<16xf32>
      %add3A_136 = arith.addf %add3A_135, %exp3A_133 : vector<16xf32>
      %div3A_137 = arith.constant 1.000000e+00 : f32
      %div3A_138 = vector.broadcast %div3A_137 : f32 to vector<16xf32>
      %div3A_139 = arith.divf %div3A_138, %add3A_136 : vector<16xf32>
      %swap3A_140 = arith.index_cast %add3A_46 : i32 to index
      %swap3A_141 = arith.constant 32 : index
      %swap3A_142 = tpu.vector_load %arg7[%swap3A_140, %swap3A_141] {strides = array<i32>} : memref<128x64xf32, #tpu.memory_space<vmem>>, vector<1x16xf32>,
      %swap3A_143 = vector.shape_cast %swap3A_142 : vector<1x16xf32> to vector<16xf32>
      %swap3A_144 = vector.shape_cast %div3A_139 : vector<16xf32> to vector<1x16xf32>
      tpu.vector_store %arg7[%swap3A_140, %swap3A_141], %swap3A_144 {strides = array<i32>} : memref<128x64xf32, #tpu.memory_space<vmem>>, vector<1x16xf32>,
      %mul3A_145 = arith.constant 5.000000e-03 : f32
      %mul3A_146 = vector.broadcast %mul3A_145 : f32 to vector<16xf32>
      %mul3A_147 = arith.mulf %scan3A_93#3, %mul3A_146 : vector<16xf32>
      %neg3A_148 = arith.constant 0.000000e+00 : f32
      %neg3A_149 = vector.broadcast %neg3A_148 : f32 to vector<16xf32>
      %neg3A_150 = arith.subf %neg3A_149, %mul3A_147 : vector<16xf32>
      %exp3A_151 = math.exp %neg3A_150 : vector<16xf32>
      %add3A_152 = arith.constant 1.000000e+00 : f32
      %add3A_153 = vector.broadcast %add3A_152 : f32 to vector<16xf32>
      %add3A_154 = arith.addf %add3A_153, %exp3A_151 : vector<16xf32>
      %div3A_155 = arith.constant 1.000000e+00 : f32
      %div3A_156 = vector.broadcast %div3A_155 : f32 to vector<16xf32>
      %div3A_157 = arith.divf %div3A_156, %add3A_154 : vector<16xf32>
      %swap3A_158 = arith.index_cast %add3A_46 : i32 to index
      %swap3A_159 = arith.constant 48 : index
      %swap3A_160 = tpu.vector_load %arg7[%swap3A_158, %swap3A_159] {strides = array<i32>} : memref<128x64xf32, #tpu.memory_space<vmem>>, vector<1x16xf32>,
      %swap3A_161 = vector.shape_cast %swap3A_160 : vector<1x16xf32> to vector<16xf32>
      %swap3A_162 = vector.shape_cast %div3A_157 : vector<16xf32> to vector<1x16xf32>
      tpu.vector_store %arg7[%swap3A_158, %swap3A_159], %swap3A_162 {strides = array<i32>} : memref<128x64xf32, #tpu.memory_space<vmem>>, vector<1x16xf32>,
      %add3A_163 = arith.constant 1 : i32
      %add3A_164 = arith.addi %add3A_44, %add3A_163 : i32
      %add3A_165 = arith.constant 1 : i32
      %add3A_166 = arith.addi %add3A_164, %add3A_165 : i32
      %lt3A_167 = arith.constant 128 : i32
      %lt3A_168 = arith.cmpi slt, %add3A_166, %lt3A_167 : i32
      %convert_element_type3A_169 = arith.extui %lt3A_168 : i1 to i32
      %cond3A_170 = arith.constant 0 : i32
      %cond3A_171 = arith.cmpi ne, %convert_element_type3A_169, %cond3A_170 : i32
      scf.if %cond3A_171 {
        %dma_start3A_290 = arith.constant 0 : i32
        %dma_start3A_291 = arith.constant 0 : i32
        %dma_start3A_292 = arith.constant 0 : i32
        %dma_start3A_293 = arith.constant 0 : i32
        %dma_start3A_294 = arith.constant 0 : i32
        %dma_start3A_295 = arith.constant 0 : i32
        %dma_start3A_296 = tpu.memref_slice %arg6[%dma_start3A_291, %dma_start3A_292, %dma_start3A_294, %dma_start3A_295] : memref<2x2x100x64xf32, #tpu.memory_space<vmem>> -> memref<1x1x100x64xf32, #tpu.memory_space<vmem>>
        %dma_start3A_297 = tpu.memref_squeeze %dma_start3A_296 : memref<1x1x100x64xf32, #tpu.memory_space<vmem>> -> memref<100x64xf32, #tpu.memory_space<vmem>>
        %dma_start3A_298 = arith.constant 0 : i32
        %dma_start3A_299 = tpu.memref_slice %arg5[%add3A_166, %dma_start3A_290, %dma_start3A_298] : memref<128x2x100xi32, #tpu.memory_space<vmem>> -> memref<1x1x100xi32, #tpu.memory_space<vmem>>
        %dma_start3A_300 = tpu.memref_squeeze %dma_start3A_299 : memref<1x1x100xi32, #tpu.memory_space<vmem>> -> memref<100xi32, #tpu.memory_space<vmem>>
        %dma_start3A_301 = arith.constant 0 : i32
        %dma_start3A_302 = arith.constant 0 : i32
        %dma_start3A_303 = tpu.memref_slice %arg3[%dma_start3A_301, %dma_start3A_302] : memref<1015808x64xf32, #tpu.memory_space<hbm>> -> memref<1015808x64xf32, #tpu.memory_space<hbm>>
        %dma_start3A_304 = tpu.memref_slice %arg8[%dma_start3A_293] : memref<2x!tpu.dma_semaphore, #tpu.memory_space<semaphore_mem>> -> memref<1x!tpu.dma_semaphore, #tpu.memory_space<semaphore_mem>>
        %dma_start3A_305 = tpu.memref_squeeze %dma_start3A_304 : memref<1x!tpu.dma_semaphore, #tpu.memory_space<semaphore_mem>> -> memref<!tpu.dma_semaphore, #tpu.memory_space<semaphore_mem>>
        tpu.enqueue_indirect_dma source(%dma_start3A_303 : memref<1015808x64xf32, #tpu.memory_space<hbm>>) target(%dma_start3A_297 : memref<100x64xf32, #tpu.memory_space<vmem>>) offsets(%dma_start3A_300 : memref<100xi32, #tpu.memory_space<vmem>>) semaphore(%dma_start3A_305 : memref<!tpu.dma_semaphore, #tpu.memory_space<semaphore_mem>>)
        %dma_start3A_306 = arith.constant 1 : i32
        %dma_start3A_307 = arith.constant 0 : i32
        %dma_start3A_308 = arith.constant 1 : i32
        %dma_start3A_309 = arith.constant 0 : i32
        %dma_start3A_310 = arith.constant 0 : i32
        %dma_start3A_311 = arith.constant 0 : i32
        %dma_start3A_312 = tpu.memref_slice %arg6[%dma_start3A_307, %dma_start3A_308, %dma_start3A_310, %dma_start3A_311] : memref<2x2x100x64xf32, #tpu.memory_space<vmem>> -> memref<1x1x100x64xf32, #tpu.memory_space<vmem>>
        %dma_start3A_313 = tpu.memref_squeeze %dma_start3A_312 : memref<1x1x100x64xf32, #tpu.memory_space<vmem>> -> memref<100x64xf32, #tpu.memory_space<vmem>>
        %dma_start3A_314 = arith.constant 0 : i32
        %dma_start3A_315 = tpu.memref_slice %arg5[%add3A_166, %dma_start3A_306, %dma_start3A_314] : memref<128x2x100xi32, #tpu.memory_space<vmem>> -> memref<1x1x100xi32, #tpu.memory_space<vmem>>
        %dma_start3A_316 = tpu.memref_squeeze %dma_start3A_315 : memref<1x1x100xi32, #tpu.memory_space<vmem>> -> memref<100xi32, #tpu.memory_space<vmem>>
        %dma_start3A_317 = arith.constant 0 : i32
        %dma_start3A_318 = arith.constant 0 : i32
        %dma_start3A_319 = tpu.memref_slice %arg3[%dma_start3A_317, %dma_start3A_318] : memref<1015808x64xf32, #tpu.memory_space<hbm>> -> memref<1015808x64xf32, #tpu.memory_space<hbm>>
        %dma_start3A_320 = tpu.memref_slice %arg8[%dma_start3A_309] : memref<2x!tpu.dma_semaphore, #tpu.memory_space<semaphore_mem>> -> memref<1x!tpu.dma_semaphore, #tpu.memory_space<semaphore_mem>>
        %dma_start3A_321 = tpu.memref_squeeze %dma_start3A_320 : memref<1x!tpu.dma_semaphore, #tpu.memory_space<semaphore_mem>> -> memref<!tpu.dma_semaphore, #tpu.memory_space<semaphore_mem>>
        tpu.enqueue_indirect_dma source(%dma_start3A_319 : memref<1015808x64xf32, #tpu.memory_space<hbm>>) target(%dma_start3A_313 : memref<100x64xf32, #tpu.memory_space<vmem>>) offsets(%dma_start3A_316 : memref<100xi32, #tpu.memory_space<vmem>>) semaphore(%dma_start3A_321 : memref<!tpu.dma_semaphore, #tpu.memory_space<semaphore_mem>>)
      } else {
      }
      %dma_wait3A_172 = arith.constant 0 : i32
      %dma_wait3A_173 = arith.constant 1 : i32
      %dma_wait3A_174 = arith.constant 0 : i32
      %dma_wait3A_175 = arith.constant 1 : i32
      %dma_wait3A_176 = arith.constant 0 : i32
      %dma_wait3A_177 = arith.constant 0 : i32
      %dma_wait3A_178 = tpu.memref_slice %arg6[%dma_wait3A_173, %dma_wait3A_174, %dma_wait3A_176, %dma_wait3A_177] : memref<2x2x100x64xf32, #tpu.memory_space<vmem>> -> memref<1x1x100x64xf32, #tpu.memory_space<vmem>>
      %dma_wait3A_179 = tpu.memref_squeeze %dma_wait3A_178 : memref<1x1x100x64xf32, #tpu.memory_space<vmem>> -> memref<100x64xf32, #tpu.memory_space<vmem>>
      %dma_wait3A_180 = arith.constant 0 : i32
      %dma_wait3A_181 = tpu.memref_slice %arg5[%add3A_164, %dma_wait3A_172, %dma_wait3A_180] : memref<128x2x100xi32, #tpu.memory_space<vmem>> -> memref<1x1x100xi32, #tpu.memory_space<vmem>>
      %dma_wait3A_182 = tpu.memref_squeeze %dma_wait3A_181 : memref<1x1x100xi32, #tpu.memory_space<vmem>> -> memref<100xi32, #tpu.memory_space<vmem>>
      %dma_wait3A_183 = arith.constant 0 : i32
      %dma_wait3A_184 = arith.constant 0 : i32
      %dma_wait3A_185 = tpu.memref_slice %arg3[%dma_wait3A_183, %dma_wait3A_184] : memref<1015808x64xf32, #tpu.memory_space<hbm>> -> memref<1015808x64xf32, #tpu.memory_space<hbm>>
      %dma_wait3A_186 = tpu.memref_slice %arg8[%dma_wait3A_175] : memref<2x!tpu.dma_semaphore, #tpu.memory_space<semaphore_mem>> -> memref<1x!tpu.dma_semaphore, #tpu.memory_space<semaphore_mem>>
      %dma_wait3A_187 = tpu.memref_squeeze %dma_wait3A_186 : memref<1x!tpu.dma_semaphore, #tpu.memory_space<semaphore_mem>> -> memref<!tpu.dma_semaphore, #tpu.memory_space<semaphore_mem>>
      tpu.wait_indirect_dma semaphore(%dma_wait3A_187 : memref<!tpu.dma_semaphore, #tpu.memory_space<semaphore_mem>>) src(%dma_wait3A_185 : memref<1015808x64xf32, #tpu.memory_space<hbm>>) dst(%dma_wait3A_179 : memref<100x64xf32, #tpu.memory_space<vmem>>)
      %dma_wait3A_188 = arith.constant 1 : i32
      %dma_wait3A_189 = arith.constant 1 : i32
      %dma_wait3A_190 = arith.constant 1 : i32
      %dma_wait3A_191 = arith.constant 1 : i32
      %dma_wait3A_192 = arith.constant 0 : i32
      %dma_wait3A_193 = arith.constant 0 : i32
      %dma_wait3A_194 = tpu.memref_slice %arg6[%dma_wait3A_189, %dma_wait3A_190, %dma_wait3A_192, %dma_wait3A_193] : memref<2x2x100x64xf32, #tpu.memory_space<vmem>> -> memref<1x1x100x64xf32, #tpu.memory_space<vmem>>
      %dma_wait3A_195 = tpu.memref_squeeze %dma_wait3A_194 : memref<1x1x100x64xf32, #tpu.memory_space<vmem>> -> memref<100x64xf32, #tpu.memory_space<vmem>>
      %dma_wait3A_196 = arith.constant 0 : i32
      %dma_wait3A_197 = tpu.memref_slice %arg5[%add3A_164, %dma_wait3A_188, %dma_wait3A_196] : memref<128x2x100xi32, #tpu.memory_space<vmem>> -> memref<1x1x100xi32, #tpu.memory_space<vmem>>
      %dma_wait3A_198 = tpu.memref_squeeze %dma_wait3A_197 : memref<1x1x100xi32, #tpu.memory_space<vmem>> -> memref<100xi32, #tpu.memory_space<vmem>>
      %dma_wait3A_199 = arith.constant 0 : i32
      %dma_wait3A_200 = arith.constant 0 : i32
      %dma_wait3A_201 = tpu.memref_slice %arg3[%dma_wait3A_199, %dma_wait3A_200] : memref<1015808x64xf32, #tpu.memory_space<hbm>> -> memref<1015808x64xf32, #tpu.memory_space<hbm>>
      %dma_wait3A_202 = tpu.memref_slice %arg8[%dma_wait3A_191] : memref<2x!tpu.dma_semaphore, #tpu.memory_space<semaphore_mem>> -> memref<1x!tpu.dma_semaphore, #tpu.memory_space<semaphore_mem>>
      %dma_wait3A_203 = tpu.memref_squeeze %dma_wait3A_202 : memref<1x!tpu.dma_semaphore, #tpu.memory_space<semaphore_mem>> -> memref<!tpu.dma_semaphore, #tpu.memory_space<semaphore_mem>>
      tpu.wait_indirect_dma semaphore(%dma_wait3A_203 : memref<!tpu.dma_semaphore, #tpu.memory_space<semaphore_mem>>) src(%dma_wait3A_201 : memref<1015808x64xf32, #tpu.memory_space<hbm>>) dst(%dma_wait3A_195 : memref<100x64xf32, #tpu.memory_space<vmem>>)
      %broadcast_in_dim3A_204 = arith.constant 0.000000e+00 : f32
      %broadcast_in_dim3A_205 = vector.broadcast %broadcast_in_dim3A_204 : f32 to vector<16xf32>
      %broadcast_in_dim3A_206 = arith.constant 0.000000e+00 : f32
      %broadcast_in_dim3A_207 = vector.broadcast %broadcast_in_dim3A_206 : f32 to vector<16xf32>
      %broadcast_in_dim3A_208 = arith.constant 0.000000e+00 : f32
      %broadcast_in_dim3A_209 = vector.broadcast %broadcast_in_dim3A_208 : f32 to vector<16xf32>
      %broadcast_in_dim3A_210 = arith.constant 0.000000e+00 : f32
      %broadcast_in_dim3A_211 = vector.broadcast %broadcast_in_dim3A_210 : f32 to vector<16xf32>
      %scan3A_212 = arith.constant 0 : i32
      %scan3A_213 = arith.constant 100 : i32
      %scan3A_214 = arith.addi %scan3A_212, %scan3A_213 : i32
      %scan3A_215 = arith.constant 1 : i32
      %scan3A_216:4 = scf.for %scan3A_290 = %scan3A_212 to %scan3A_214 step %scan3A_215 iter_args(%scan3A_291 = %broadcast_in_dim3A_205, %scan3A_292 = %broadcast_in_dim3A_207, %scan3A_293 = %broadcast_in_dim3A_209, %scan3A_294 = %broadcast_in_dim3A_211) -> (vector<16xf32>, vector<16xf32>, vector<16xf32>, vector<16xf32>)  : i32 {
        %get3A = arith.constant 1 : i32
        %get3A_295 = arith.constant 0 : i32
        %get3A_296 = arith.index_cast %get3A : i32 to index
        %get3A_297 = arith.index_cast %get3A_295 : i32 to index
        %get3A_298 = arith.index_cast %scan3A_290 : i32 to index
        %get3A_299 = arith.constant 0 : index
        %get3A_300 = tpu.vector_load %arg6[%get3A_296, %get3A_297, %get3A_298, %get3A_299] {strides = array<i32>} : memref<2x2x100x64xf32, #tpu.memory_space<vmem>>, vector<1x1x1x16xf32>,
        %get3A_301 = vector.shape_cast %get3A_300 : vector<1x1x1x16xf32> to vector<16xf32>
        %add3A_302 = arith.addf %scan3A_291, %get3A_301 : vector<16xf32>
        %get3A_303 = arith.constant 1 : i32
        %get3A_304 = arith.constant 1 : i32
        %get3A_305 = arith.index_cast %get3A_303 : i32 to index
        %get3A_306 = arith.index_cast %get3A_304 : i32 to index
        %get3A_307 = arith.index_cast %scan3A_290 : i32 to index
        %get3A_308 = arith.constant 0 : index
        %get3A_309 = tpu.vector_load %arg6[%get3A_305, %get3A_306, %get3A_307, %get3A_308] {strides = array<i32>} : memref<2x2x100x64xf32, #tpu.memory_space<vmem>>, vector<1x1x1x16xf32>,
        %get3A_310 = vector.shape_cast %get3A_309 : vector<1x1x1x16xf32> to vector<16xf32>
        %add3A_311 = arith.addf %add3A_302, %get3A_310 : vector<16xf32>
        %get3A_312 = arith.constant 1 : i32
        %get3A_313 = arith.constant 0 : i32
        %get3A_314 = arith.index_cast %get3A_312 : i32 to index
        %get3A_315 = arith.index_cast %get3A_313 : i32 to index
        %get3A_316 = arith.index_cast %scan3A_290 : i32 to index
        %get3A_317 = arith.constant 16 : index
        %get3A_318 = tpu.vector_load %arg6[%get3A_314, %get3A_315, %get3A_316, %get3A_317] {strides = array<i32>} : memref<2x2x100x64xf32, #tpu.memory_space<vmem>>, vector<1x1x1x16xf32>,
        %get3A_319 = vector.shape_cast %get3A_318 : vector<1x1x1x16xf32> to vector<16xf32>
        %add3A_320 = arith.addf %scan3A_292, %get3A_319 : vector<16xf32>
        %get3A_321 = arith.constant 1 : i32
        %get3A_322 = arith.constant 1 : i32
        %get3A_323 = arith.index_cast %get3A_321 : i32 to index
        %get3A_324 = arith.index_cast %get3A_322 : i32 to index
        %get3A_325 = arith.index_cast %scan3A_290 : i32 to index
        %get3A_326 = arith.constant 16 : index
        %get3A_327 = tpu.vector_load %arg6[%get3A_323, %get3A_324, %get3A_325, %get3A_326] {strides = array<i32>} : memref<2x2x100x64xf32, #tpu.memory_space<vmem>>, vector<1x1x1x16xf32>,
        %get3A_328 = vector.shape_cast %get3A_327 : vector<1x1x1x16xf32> to vector<16xf32>
        %add3A_329 = arith.addf %add3A_320, %get3A_328 : vector<16xf32>
        %get3A_330 = arith.constant 1 : i32
        %get3A_331 = arith.constant 0 : i32
        %get3A_332 = arith.index_cast %get3A_330 : i32 to index
        %get3A_333 = arith.index_cast %get3A_331 : i32 to index
        %get3A_334 = arith.index_cast %scan3A_290 : i32 to index
        %get3A_335 = arith.constant 32 : index
        %get3A_336 = tpu.vector_load %arg6[%get3A_332, %get3A_333, %get3A_334, %get3A_335] {strides = array<i32>} : memref<2x2x100x64xf32, #tpu.memory_space<vmem>>, vector<1x1x1x16xf32>,
        %get3A_337 = vector.shape_cast %get3A_336 : vector<1x1x1x16xf32> to vector<16xf32>
        %add3A_338 = arith.addf %scan3A_293, %get3A_337 : vector<16xf32>
        %get3A_339 = arith.constant 1 : i32
        %get3A_340 = arith.constant 1 : i32
        %get3A_341 = arith.index_cast %get3A_339 : i32 to index
        %get3A_342 = arith.index_cast %get3A_340 : i32 to index
        %get3A_343 = arith.index_cast %scan3A_290 : i32 to index
        %get3A_344 = arith.constant 32 : index
        %get3A_345 = tpu.vector_load %arg6[%get3A_341, %get3A_342, %get3A_343, %get3A_344] {strides = array<i32>} : memref<2x2x100x64xf32, #tpu.memory_space<vmem>>, vector<1x1x1x16xf32>,
        %get3A_346 = vector.shape_cast %get3A_345 : vector<1x1x1x16xf32> to vector<16xf32>
        %add3A_347 = arith.addf %add3A_338, %get3A_346 : vector<16xf32>
        %get3A_348 = arith.constant 1 : i32
        %get3A_349 = arith.constant 0 : i32
        %get3A_350 = arith.index_cast %get3A_348 : i32 to index
        %get3A_351 = arith.index_cast %get3A_349 : i32 to index
        %get3A_352 = arith.index_cast %scan3A_290 : i32 to index
        %get3A_353 = arith.constant 48 : index
        %get3A_354 = tpu.vector_load %arg6[%get3A_350, %get3A_351, %get3A_352, %get3A_353] {strides = array<i32>} : memref<2x2x100x64xf32, #tpu.memory_space<vmem>>, vector<1x1x1x16xf32>,
        %get3A_355 = vector.shape_cast %get3A_354 : vector<1x1x1x16xf32> to vector<16xf32>
        %add3A_356 = arith.addf %scan3A_294, %get3A_355 : vector<16xf32>
        %get3A_357 = arith.constant 1 : i32
        %get3A_358 = arith.constant 1 : i32
        %get3A_359 = arith.index_cast %get3A_357 : i32 to index
        %get3A_360 = arith.index_cast %get3A_358 : i32 to index
        %get3A_361 = arith.index_cast %scan3A_290 : i32 to index
        %get3A_362 = arith.constant 48 : index
        %get3A_363 = tpu.vector_load %arg6[%get3A_359, %get3A_360, %get3A_361, %get3A_362] {strides = array<i32>} : memref<2x2x100x64xf32, #tpu.memory_space<vmem>>, vector<1x1x1x16xf32>,
        %get3A_364 = vector.shape_cast %get3A_363 : vector<1x1x1x16xf32> to vector<16xf32>
        %add3A_365 = arith.addf %add3A_356, %get3A_364 : vector<16xf32>
        scf.yield %add3A_311, %add3A_329, %add3A_347, %add3A_365 : vector<16xf32>, vector<16xf32>, vector<16xf32>, vector<16xf32>
      }
      %scan3A_217 = arith.constant 100 : i32
      %mul3A_218 = arith.constant 5.000000e-03 : f32
      %mul3A_219 = vector.broadcast %mul3A_218 : f32 to vector<16xf32>
      %mul3A_220 = arith.mulf %scan3A_216#0, %mul3A_219 : vector<16xf32>
      %neg3A_221 = arith.constant 0.000000e+00 : f32
      %neg3A_222 = vector.broadcast %neg3A_221 : f32 to vector<16xf32>
      %neg3A_223 = arith.subf %neg3A_222, %mul3A_220 : vector<16xf32>
      %exp3A_224 = math.exp %neg3A_223 : vector<16xf32>
      %add3A_225 = arith.constant 1.000000e+00 : f32
      %add3A_226 = vector.broadcast %add3A_225 : f32 to vector<16xf32>
      %add3A_227 = arith.addf %add3A_226, %exp3A_224 : vector<16xf32>
      %div3A_228 = arith.constant 1.000000e+00 : f32
      %div3A_229 = vector.broadcast %div3A_228 : f32 to vector<16xf32>
      %div3A_230 = arith.divf %div3A_229, %add3A_227 : vector<16xf32>
      %swap3A_231 = arith.index_cast %add3A_164 : i32 to index
      %swap3A_232 = arith.constant 0 : index
      %swap3A_233 = tpu.vector_load %arg7[%swap3A_231, %swap3A_232] {strides = array<i32>} : memref<128x64xf32, #tpu.memory_space<vmem>>, vector<1x16xf32>,
      %swap3A_234 = vector.shape_cast %swap3A_233 : vector<1x16xf32> to vector<16xf32>
      %swap3A_235 = vector.shape_cast %div3A_230 : vector<16xf32> to vector<1x16xf32>
      tpu.vector_store %arg7[%swap3A_231, %swap3A_232], %swap3A_235 {strides = array<i32>} : memref<128x64xf32, #tpu.memory_space<vmem>>, vector<1x16xf32>,
      %mul3A_236 = arith.constant 5.000000e-03 : f32
      %mul3A_237 = vector.broadcast %mul3A_236 : f32 to vector<16xf32>
      %mul3A_238 = arith.mulf %scan3A_216#1, %mul3A_237 : vector<16xf32>
      %neg3A_239 = arith.constant 0.000000e+00 : f32
      %neg3A_240 = vector.broadcast %neg3A_239 : f32 to vector<16xf32>
      %neg3A_241 = arith.subf %neg3A_240, %mul3A_238 : vector<16xf32>
      %exp3A_242 = math.exp %neg3A_241 : vector<16xf32>
      %add3A_243 = arith.constant 1.000000e+00 : f32
      %add3A_244 = vector.broadcast %add3A_243 : f32 to vector<16xf32>
      %add3A_245 = arith.addf %add3A_244, %exp3A_242 : vector<16xf32>
      %div3A_246 = arith.constant 1.000000e+00 : f32
      %div3A_247 = vector.broadcast %div3A_246 : f32 to vector<16xf32>
      %div3A_248 = arith.divf %div3A_247, %add3A_245 : vector<16xf32>
      %swap3A_249 = arith.index_cast %add3A_164 : i32 to index
      %swap3A_250 = arith.constant 16 : index
      %swap3A_251 = tpu.vector_load %arg7[%swap3A_249, %swap3A_250] {strides = array<i32>} : memref<128x64xf32, #tpu.memory_space<vmem>>, vector<1x16xf32>,
      %swap3A_252 = vector.shape_cast %swap3A_251 : vector<1x16xf32> to vector<16xf32>
      %swap3A_253 = vector.shape_cast %div3A_248 : vector<16xf32> to vector<1x16xf32>
      tpu.vector_store %arg7[%swap3A_249, %swap3A_250], %swap3A_253 {strides = array<i32>} : memref<128x64xf32, #tpu.memory_space<vmem>>, vector<1x16xf32>,
      %mul3A_254 = arith.constant 5.000000e-03 : f32
      %mul3A_255 = vector.broadcast %mul3A_254 : f32 to vector<16xf32>
      %mul3A_256 = arith.mulf %scan3A_216#2, %mul3A_255 : vector<16xf32>
      %neg3A_257 = arith.constant 0.000000e+00 : f32
      %neg3A_258 = vector.broadcast %neg3A_257 : f32 to vector<16xf32>
      %neg3A_259 = arith.subf %neg3A_258, %mul3A_256 : vector<16xf32>
      %exp3A_260 = math.exp %neg3A_259 : vector<16xf32>
      %add3A_261 = arith.constant 1.000000e+00 : f32
      %add3A_262 = vector.broadcast %add3A_261 : f32 to vector<16xf32>
      %add3A_263 = arith.addf %add3A_262, %exp3A_260 : vector<16xf32>
      %div3A_264 = arith.constant 1.000000e+00 : f32
      %div3A_265 = vector.broadcast %div3A_264 : f32 to vector<16xf32>
      %div3A_266 = arith.divf %div3A_265, %add3A_263 : vector<16xf32>
      %swap3A_267 = arith.index_cast %add3A_164 : i32 to index
      %swap3A_268 = arith.constant 32 : index
      %swap3A_269 = tpu.vector_load %arg7[%swap3A_267, %swap3A_268] {strides = array<i32>} : memref<128x64xf32, #tpu.memory_space<vmem>>, vector<1x16xf32>,
      %swap3A_270 = vector.shape_cast %swap3A_269 : vector<1x16xf32> to vector<16xf32>
      %swap3A_271 = vector.shape_cast %div3A_266 : vector<16xf32> to vector<1x16xf32>
      tpu.vector_store %arg7[%swap3A_267, %swap3A_268], %swap3A_271 {strides = array<i32>} : memref<128x64xf32, #tpu.memory_space<vmem>>, vector<1x16xf32>,
      %mul3A_272 = arith.constant 5.000000e-03 : f32
      %mul3A_273 = vector.broadcast %mul3A_272 : f32 to vector<16xf32>
      %mul3A_274 = arith.mulf %scan3A_216#3, %mul3A_273 : vector<16xf32>
      %neg3A_275 = arith.constant 0.000000e+00 : f32
      %neg3A_276 = vector.broadcast %neg3A_275 : f32 to vector<16xf32>
      %neg3A_277 = arith.subf %neg3A_276, %mul3A_274 : vector<16xf32>
      %exp3A_278 = math.exp %neg3A_277 : vector<16xf32>
      %add3A_279 = arith.constant 1.000000e+00 : f32
      %add3A_280 = vector.broadcast %add3A_279 : f32 to vector<16xf32>
      %add3A_281 = arith.addf %add3A_280, %exp3A_278 : vector<16xf32>
      %div3A_282 = arith.constant 1.000000e+00 : f32
      %div3A_283 = vector.broadcast %div3A_282 : f32 to vector<16xf32>
      %div3A_284 = arith.divf %div3A_283, %add3A_281 : vector<16xf32>
      %swap3A_285 = arith.index_cast %add3A_164 : i32 to index
      %swap3A_286 = arith.constant 48 : index
      %swap3A_287 = tpu.vector_load %arg7[%swap3A_285, %swap3A_286] {strides = array<i32>} : memref<128x64xf32, #tpu.memory_space<vmem>>, vector<1x16xf32>,
      %swap3A_288 = vector.shape_cast %swap3A_287 : vector<1x16xf32> to vector<16xf32>
      %swap3A_289 = vector.shape_cast %div3A_284 : vector<16xf32> to vector<1x16xf32>
      tpu.vector_store %arg7[%swap3A_285, %swap3A_286], %swap3A_289 {strides = array<i32>} : memref<128x64xf32, #tpu.memory_space<vmem>>, vector<1x16xf32>,
    }
    %scan3A_39 = arith.constant 64 : i32
    "tpu.region"() ({
      %run_scoped3A = tpu.sem_alloc : memref<!tpu.dma_semaphore, #tpu.memory_space<semaphore_mem>>
      %dma_start3A_40 = arith.constant 0 : i32
      %dma_start3A_41 = tpu.memref_slice %arg4[%mul3A_2, %dma_start3A_40] : memref<4096x64xf32, #tpu.memory_space<hbm>> -> memref<128x64xf32, #tpu.memory_space<hbm>>
      %dma_start3A_42 = arith.constant 0 : i32
      %dma_start3A_43 = tpu.memref_slice %arg4[%mul3A_2, %dma_start3A_42] : memref<4096x64xf32, #tpu.memory_space<hbm>> -> memref<128x64xf32, #tpu.memory_space<hbm>>
      tpu.enqueue_dma source(%arg7 : memref<128x64xf32, #tpu.memory_space<vmem>>) target(%dma_start3A_43 : memref<128x64xf32, #tpu.memory_space<hbm>>) target_semaphore(%run_scoped3A : memref<!tpu.dma_semaphore, #tpu.memory_space<semaphore_mem>>)
      %dma_wait3A = arith.constant 0 : i32
      %dma_wait3A_44 = tpu.memref_slice %arg4[%mul3A_2, %dma_wait3A] : memref<4096x64xf32, #tpu.memory_space<hbm>> -> memref<128x64xf32, #tpu.memory_space<hbm>>
      %dma_wait3A_45 = arith.constant 0 : i32
      %dma_wait3A_46 = tpu.memref_slice %arg4[%mul3A_2, %dma_wait3A_45] : memref<4096x64xf32, #tpu.memory_space<hbm>> -> memref<128x64xf32, #tpu.memory_space<hbm>>
      tpu.wait_dma2 semaphore(%run_scoped3A : memref<!tpu.dma_semaphore, #tpu.memory_space<semaphore_mem>>) src(%arg7 : memref<128x64xf32, #tpu.memory_space<vmem>>) dst(%dma_wait3A_46 : memref<128x64xf32, #tpu.memory_space<hbm>>)
      tpu.yield
    }) : () -> ()
    return
  }
}

module attributes {stable_mosaic.version = 14 : i64} {
  func.func @_transpose_body(%arg0: i32, %arg1: memref<64x16384xf32, #tpu.memory_space<vmem>>, %arg2: memref<8192x128xf32, #tpu.memory_space<vmem>>) attributes {dimension_semantics = [#tpu.dimension_semantics<arbitrary>], iteration_bounds = array<i64: 62>, scalar_prefetch = 0 : i64, scratch_operands = 0 : i64, tpu.core_type = #tpu.core_type<tc>, window_params = [{transform_indices = @transform_0, window_bounds = array<i64: 64, 16384>}, {transform_indices = @transform_1, window_bounds = array<i64: 8192, 128>}]} {
    %get3A = arith.constant 0 : index
    %get3A_0 = arith.constant 0 : index
    %get3A_1 = vector.load %arg1[%get3A, %get3A_0] : memref<64x16384xf32, #tpu.memory_space<vmem>>, vector<64x16384xf32>
    %iota3A = tpu.iota {dimensions = array<i32: 0>} : vector<128x128xi32>
    %iota3A_2 = tpu.iota {dimensions = array<i32: 1>} : vector<128x128xi32>
    %eq3A = arith.cmpi eq, %iota3A, %iota3A_2 : vector<128x128xi32>
    %convert_element_type3A = arith.extui %eq3A : vector<128x128xi1> to vector<128x128xi32>
    %convert_element_type3A_3 = arith.sitofp %convert_element_type3A : vector<128x128xi32> to vector<128x128xf32>
    %slice3A = vector.extract_strided_slice %get3A_1 {offsets = [0, 0], sizes = [64, 8192], strides = [1, 1]} : vector<64x16384xf32> to vector<64x8192xf32>
    %slice3A_4 = vector.extract_strided_slice %get3A_1 {offsets = [0, 8192], sizes = [64, 8192], strides = [1, 1]} : vector<64x16384xf32> to vector<64x8192xf32>
    %concatenate3A = tpu.concatenate %slice3A, %slice3A_4 in 0 : vector<64x8192xf32>, vector<64x8192xf32> -> vector<128x8192xf32>
    %dot_general3A = arith.constant dense<0.000000e+00> : vector<8192x128xf32>
    %dot_general3A_5 = tpu.matmul %concatenate3A, %convert_element_type3A_3, %dot_general3A {dimension_numbers = #tpu.dot_dimension_numbers<[0], [0], [1], [1], [0, 1, 1, 1], [], []>, transpose_lhs_hint = false} : vector<128x8192xf32>, vector<128x128xf32>, vector<8192x128xf32> -> vector<8192x128xf32>
    %swap3A = arith.constant 0 : index
    %swap3A_6 = arith.constant 0 : index
    %swap3A_7 = vector.load %arg2[%swap3A, %swap3A_6] : memref<8192x128xf32, #tpu.memory_space<vmem>>, vector<8192x128xf32>
    tpu.vector_store %arg2[%swap3A, %swap3A_6], %dot_general3A_5 {strides = array<i32>} : memref<8192x128xf32, #tpu.memory_space<vmem>>, vector<8192x128xf32>,
    return
  }
  func.func @transform_0(%arg0: i32) -> (i32, i32) {
    %c0_i32 = arith.constant 0 : i32
    %c0_i32_0 = arith.constant 0 : i32
    return %c0_i32, %arg0 : i32, i32
  }
  func.func @transform_1(%arg0: i32) -> (i32, i32) {
    %c0_i32 = arith.constant 0 : i32
    %c0_i32_0 = arith.constant 0 : i32
    return %arg0, %c0_i32 : i32, i32
  }
}

</mosaic_0001>

<sc_bundles>
// kernel: kernel.4.cloned.1.call-start
scs
__scs_entry_jumppad:
0x0: {  	(pc) =	sbr.rel $0x88, $3  }
0x1: {  	(tag) =	ssettag $0x0;
	lr =	simm.s32 $0x1  }
0x2: {  	[smem:$0x3F9F] =	sst lr;
	_ =	strace $0xD0000000  }
0x3: {  	_ = 	snop  }
0x4: {  	_ = 	snop  }
0x5: {  	_ = 	snop  }
0x6: {  	_ = 	snop  }
0x7: {  	_ = 	snop  }
__scs_overlays_trampoline_lowered:
0x8: {  	[smem:$0x3FAE] =	sst s0  }
0x9: {  	[smem:$0x3FAF] =	sst s1  }
0xa: {  	[smem:$0x3FB0] =	sst s2  }
0xb: {  	[smem:$0x3FB1] =	sst s3  }
0xc: {  	[smem:$0x3FB2] =	sst s4  }
0xd: {  	[smem:$0x3FB3] =	sst s5  }
0xe: {  	[smem:$0x3FB4] =	sst s6  }
0xf: {  	[smem:$0x3FB5] =	sst s7  }
0x10: {  	[smem:$0x3FB6] =	sst s8  }
0x11: {  	[smem:$0x3FB7] =	sst s9;
	s0 =	simm.s32 @!p0 $0x0  }
0x12: {  	s1 =	sld [smem:$0x3F9D];
	s0 =	simm.s32 @p0 $0x1  }
0x13: {  	[smem:$0x3FB8] =	sst s0;
	s0 =	simm.s32 @!p1 $0x0  }
0x14: {  	s2 =	sld [smem:$0x3F9C];
	s0 =	simm.s32 @p1 $0x1  }
0x15: {  	[smem:$0x3FB9] =	sst s0;
	s0 =	simm.s32 @!p2 $0x0  }
0x16: {  	s3 =	sld [smem:$0x3FDB];
	s0 =	simm.s32 @p2 $0x1  }
0x17: {  	s4 =	simm.s32 $0x1BF5;
	[smem:$0x3FBB] =	sst s0  }
0x18: {  	s0 =	sld [smem:$0x3F9E];
	_ =	swait.ge [sflag:s4], $0x0  }
0x19: {  	s7 =	sld [smem:$0x3F9F]  }
0x1a: {  	s8 =	sadd.s32 $0xFFFFE003, lr  }
0x1b: {  	s9 =	sadd.s32 $0xFFFFFEF7, lr;
	s5 =	simm.s32 $0xFFFFFFFF;
	p2 =	slt.u32 s8, $0xFFFFF086  }
0x1c: {  	p1 =	slt.u32 s9, $0xF7A;
	s5 =	simm.s32 @!p2 $0x0  }
0x1d: {  	s5 =	simm.s32 @p1 $0x1;
	p0 =	seq.s32 s7, s2  }
0x1e: {  	s7 =	smul.u32 @!p0 $0xF7A, s2;
	p2 =	seq.s32 @!p0 s5, $0x0  }
0x1f: {  	s9 =	smul.u32 $0xF7A, s1;
	s8 =	simm.s32 @!p0 $0x1BF5;
	p2 =	por !p2, p0  }
0x20: {  	[sflag:s8] =	ssyncset.s32 @!p0 $0xFFFFF086;
	s6 =	sadd.s32 @!p0 s3, s7;
	s7 =	simm.s32 @!p0 $0x108  }
0x21: {  	s3 =	sadd.s32 s3, s9;
	s6 =	sadd.s32 @!p0 $0x88, s6;
	s7 =	simm.s32 @p2 $0x1082  }
0x22: {  	[simem:s7], [sflag:s8] =	dma.local @!p0 [hbm:s6], $0xF7A  }
0x23: {  	s9 =	sor.u32 $0xD0000000, s2;
	s6 =	simm.s32 $0x108;
	_ =	swait.ge @!p0 [sflag:s8], $0x0  }
0x24: {  	s3 =	sadd.s32 $0x88, s3;
	s6 =	simm.s32 @!p1 $0x1082;
	[sflag:s4] =	ssyncset.s32 $0xFFFFF086  }
0x25: {  	[simem:s6], [sflag:s4] =	dma.local [hbm:s3], $0xF7A  }
0x26: {  	[smem:$0x3F9F] =	sst s1;
	(tag) =	ssettag s2;
	_ =	strace s9  }
0x27: {  	s1 =	sld [smem:$0x3FAF]  }
0x28: {  	s2 =	sld [smem:$0x3FB0]  }
0x29: {  	s4 =	sld [smem:$0x3FB2]  }
0x2a: {  	p0 =	seq.s32 s5, $0x0;
	s5 =	sld [smem:$0x3FB3]  }
0x2b: {  	s6 =	sld [smem:$0x3FB4]  }
0x2c: {  	s7 =	sld [smem:$0x3FB5]  }
0x2d: {  	s3 =	simm.s32 $0x108;
	s8 =	sld [smem:$0x3FB6]  }
0x2e: {  	s3 =	simm.s32 @!p0 $0x1082;
	s9 =	sld [smem:$0x3FB7]  }
0x2f: {  	lr =	sadd.s32 s0, s3;
	s0 =	sld [smem:$0x3FAE]  }
0x30: {  	s3 =	sld [smem:$0x3FB1]  }
0x31: {  	[smem:$0x3FBA] =	sst s10  }
0x32: {  	s10 =	sld [smem:$0x3FB8];
	_ =	sdelay $0x3  }
0x33: {  	p0 =	seq.s32 s10, $0x1;
	s10 =	sld [smem:$0x3FBA];
	_ =	sdelay $0x3  }
0x34: {  	[smem:$0x3FBA] =	sst s10  }
0x35: {  	s10 =	sld [smem:$0x3FB9];
	_ =	sdelay $0x3  }
0x36: {  	p1 =	seq.s32 s10, $0x1;
	s10 =	sld [smem:$0x3FBA];
	_ =	sdelay $0x3  }
0x37: {  	[smem:$0x3FBA] =	sst s10  }
0x38: {  	s10 =	sld [smem:$0x3FBB]  }
0x39: {  	_ = 	snop;
	(pc) =	sbr.ind lr, $3  }
0x3a: {  	_ = 	snop  }
0x3b: {  	_ = 	snop  }
0x3c: {  	p2 =	seq.s32 s10, $0x1;
	s10 =	sld [smem:$0x3FBA]  }
0x3d: {  	_ =	shalt  }
0x3e: {  	_ =	shalt  }
0x3f: {  	_ =	shalt  }
0x40: {  	_ =	shalt  }
0x41: {  	_ =	shalt  }
0x42: {  	_ =	shalt  }
0x43: {  	_ =	shalt  }
0x44: {  	_ =	shalt  }
0x45: {  	_ =	shalt  }
0x46: {  	_ =	shalt  }
0x47: {  	_ =	shalt  }
0x48: {  	_ =	shalt  }
0x49: {  	_ =	shalt  }
0x4a: {  	_ =	shalt  }
0x4b: {  	_ =	shalt  }
0x4c: {  	_ =	shalt  }
0x4d: {  	_ =	shalt  }
0x4e: {  	_ =	shalt  }
0x4f: {  	_ =	shalt  }
0x50: {  	_ =	shalt  }
0x51: {  	_ =	shalt  }
0x52: {  	_ =	shalt  }
0x53: {  	_ =	shalt  }
0x54: {  	_ =	shalt  }
0x55: {  	_ =	shalt  }
0x56: {  	_ =	shalt  }
0x57: {  	_ =	shalt  }
0x58: {  	_ =	shalt  }
0x59: {  	_ =	shalt  }
0x5a: {  	_ =	shalt  }
0x5b: {  	_ =	shalt  }
0x5c: {  	_ =	shalt  }
0x5d: {  	_ =	shalt  }
0x5e: {  	_ =	shalt  }
0x5f: {  	_ =	shalt  }
0x60: {  	_ =	shalt  }
0x61: {  	_ =	shalt  }
0x62: {  	_ =	shalt  }
0x63: {  	_ =	shalt  }
0x64: {  	_ =	shalt  }
0x65: {  	_ =	shalt  }
0x66: {  	_ =	shalt  }
0x67: {  	_ =	shalt  }
0x68: {  	_ =	shalt  }
0x69: {  	_ =	shalt  }
0x6a: {  	_ =	shalt  }
0x6b: {  	_ =	shalt  }
0x6c: {  	_ =	shalt  }
0x6d: {  	_ =	shalt  }
0x6e: {  	_ =	shalt  }
0x6f: {  	_ =	shalt  }
0x70: {  	_ =	shalt  }
0x71: {  	_ =	shalt  }
0x72: {  	_ =	shalt  }
0x73: {  	_ =	shalt  }
0x74: {  	_ =	shalt  }
0x75: {  	_ =	shalt  }
0x76: {  	_ =	shalt  }
0x77: {  	_ =	shalt  }
0x78: {  	_ =	shalt  }
0x79: {  	_ =	shalt  }
0x7a: {  	_ =	shalt  }
0x7b: {  	_ =	shalt  }
0x7c: {  	_ =	shalt  }
0x7d: {  	_ =	shalt  }
0x7e: {  	_ =	shalt  }
0x7f: {  	_ =	shalt  }
0x80: {  	_ =	shalt  }
0x81: {  	_ =	shalt  }
0x82: {  	_ =	shalt  }
0x83: {  	_ =	shalt  }
0x84: {  	_ =	shalt  }
0x85: {  	_ =	shalt  }
0x86: {  	_ =	shalt  }
0x87: {  	_ =	shalt  }
.Lfunc_end0:
.L_simem_size_0:
called_computation_lowered:
.L_overlay_start_0:
0x88: {  	s2 =	sld [smem:$0x3FD9]  }
0x89: {  	s3 =	sld [smem:$0x3FFE];
	_ =	sdelay $0x1  }
0x8a: {  	s1 =	srdreg.scid  }
0x8b: {  	s0 =	sand.u32 $0x1, s1  }
0x8c: {  	s17 =	sshll.u32 s0, $0xA;
	s2 =	sadd.s32 s3, s2  }
0x8d: {  	s2 =	sadd.s32 s2, s17  }
0x8e: {  	[smem:$0x3FC6] =	sst s2  }
0x8f: {  	_ = 	snop  }
0x90: {  	s2 =	sld [smem:$0x3FD0];
	(tm) =	ssettm $0x1  }
0x91: {  	s18 =	sld [smem:$0x3FFB];
	_ =	sdelay $0x3  }
0x92: {  	_ =	strace s18  }
0x93: {  	s3 =	sld [smem:$0x3FFC];
	_ =	sdelay $0x3  }
0x94: {  	_ =	strace s3  }
0x95: {  	s3 =	sld [smem:$0x3FFD];
	_ =	sdelay $0x3  }
0x96: {  	_ =	strace s3  }
0x97: {  	_ =	strace $0x8FFFFFFF  }
0x98: {  	s19 =	sld [smem:$0x3FDB];
	_ =	sdelay $0x1  }
0x99: {  	s4 =	simm.s32 $_scs_section_size  }
0x9a: {  	s5 =	simm.s32 $_size__tile_overlayer_lowered;
	s6 =	simm.s32 $_tile_overlayer_lowered  }
0x9b: {  	s22 =	simm.s32 $0x1BFF;
	s21 =	sshll.u32 s6, $0x1;
	s3 =	sadd.s32 s4, s19  }
0x9c: {  	s7 =	simm.s32 $0x0;
	s20 =	sshll.u32 s5, $0x1;
	s5 =	sadd.s32 s21, s3  }
0x9d: {  	[timem:s7], [sflag:s22] =	dma.local [hbm:s5], s20  }
0x9e: {  	_ =	swait.ge [sflag:s22], s20  }
0x9f: {  	s4 =	ssub.s32 $0x0, s20;
	[sflag:s22] =	ssyncset.done $0x0  }
0xa0: {  	[sflag:s22] =	ssyncadd.s32 s4;
	_ =	sdelay $0x1  }
0xa1: {  	s23 =	simm.s32 $0x1B8B  }
0xa2: {  	_ =	swait.ge [sflag:s23], $0x1  }
0xa3: {  	[sflag:s23] =	ssyncset.done $0x0  }
0xa4: {  	s25 =	simm.s32 $0x1B8E;
	s24 =	sld [smem:$0x3FFE];
	[sflag:s23] =	ssyncadd.s32 $0xFFFFFFFF  }
0xa5: {  	s26 =	simm.s32 $execute0_lowered;
	[smem:$0x3FD2] =	sst s25  }
0xa6: {  	s5 =	sshll.u32 s26, $0x1;
	_ =	strace $0x80000046;
	[dreg:$0x1] =	wrdreg $0xFFFFFFFF  }
0xa7: {  	s28 =	simm.s32 $_size_execute0_lowered;
	s3 =	sadd.s32 s3, s5;
	[dreg:$0x0] =	wrdreg $0x0  }
0xa8: {  	s5 =	sshll.u32 s28, $0x1;
	[dreg:$0x2] =	wrdreg s3  }
0xa9: {  	[dreg:$0x3] =	wrdreg s5  }
0xaa: {  	[dreg:$0x4] =	wrdreg $0xC0  }
0xab: {  	_ =	task [dreg:s7], $0x5FFFF  }
0xac: {  	[dreg:$0x1] =	wrdreg $0xFFFFFFFF  }
0xad: {  	[dreg:$0x0] =	wrdreg $0x60  }
0xae: {  	[dreg:$0x2] =	wrdreg s24  }
0xaf: {  	[dreg:$0x3] =	wrdreg s2  }
0xb0: {  	[dreg:$0x4] =	wrdreg $0x9  }
0xb1: {  	_ =	task.clear_ibuf [dreg:s7], $0x5FFFF;
	_ =	strace $0x90000046  }
0xb2: {  	s29 =	simm.s32 $0x9;
	_ =	strace $0x80000048  }
0xb3: {  	_ =	swait.ge [sflag:s29], $0x1  }
0xb4: {  	[sflag:s29] =	ssyncadd.s32 $0xFFFFFFFF  }
0xb5: {  	_ =	strace $0x90000048  }
0xb6: {  	_ =	sfence  }
0xb7: {  	s30 =	sld [smem:$0x0];
	_ =	sdelay $0x2  }
0xb8: {  	s31 =	sshll.u32 s1, $0xD;
	s1 =	sshrl.u32 s1, $0x2  }
0xb9: {  	s3 =	sand.u32 $0x4000, s31;
	s1 =	sadd.s32 s1, s30  }
0xba: {  	s0 =	sor.u32 s3, s0;
	s1 =	sshll.u32 s1, $0x11  }
0xbb: {  	s0 =	sor.u32 s1, s0  }
0xbc: {  	s0 =	sadd.s32 $0x8F2B, s0  }
0xbd: {  	[sflag:s0] =	ssyncadd.remote.s32 $0x1  }
0xbe: {  	_ =	sfence.sel $0xFFFF  }
0xbf: {  	[dreg:$0x0] =	wrdreg $0xFFFFFFFF;
	(pc) =	sbr.abs _section_cstart, $3  }
0xc0: {  	[dreg:$0x1] =	wrdreg $0xFFFFFFFF  }
0xc1: {  	_ =	task.clear_ibuf [dreg:s7], $0x2FFFF;
	_ =	strace $0x9FFFFFFF  }
0xc2: {  	(tm) =	ssettm $0x7FFFFFFF  }
0xc3: {  	_ =	shalt  }
tec
execute0_lowered:
.L_overlay_start_1:
0x0: {  	(tag) =	ssettag $0x1  }
0x1: {  	s1 =	srdreg.scid  }
0x2: {  	s0 =	stileid.u32;
	s4 =	rddreg [dreg:$0x0]  }
0x3: {  	s5 =	rddreg [dreg:$0x1];
	s9 =	simm.s32 $0x6800;
	s10 =	simm.s32 $0x68  }
0x4: {  	s11 =	simm.s32 $0x8100;
	s12 =	simm.s32 $0x9A00;
	s13 =	simm.s32 $0xB300  }
0x5: {  	s14 =	simm.s32 $0x1;
	s15 =	simm.s32 $0x2;
	s16 =	simm.s32 $0xCC00  }
0x6: {  	s17 =	simm.s32 $0x0;
	s3 =	sand.u32 $0x1, s1;
	s30 =	sshll.u32 s0, $0x8  }
0x7: {  	s1 =	rddreg [dreg:$0x2];
	s2 =	sshll.u32 s3, $0x7;
	s8 =	ssub.s32 $0x2, s3  }
0x8: {  	s3 =	sadd.s32 $0x1A400, s4;
	s6 =	sor.u32 s2, s30;
	s2 =	simm.s32 $0x0  }
0x9: {  	s31 =	sshrl.u32 s8, $0x1;
	s7 =	smul.u32 $0x1A, s6;
	[smem:$0x7FF] =	sst s2  }
0xa: {  	s6 =	sshll.u32 s6, $0x3;
	s8 =	ssub.s32 s8, s31;
	_ =	strace $0x80000047  }
0xb: {  	s5 =	sadd.s32 s5, s6;
	s6 =	smax.u32 s8, $0x1;
	s7 =	sadd.s32 s7, s4  }
0xc: {  	s8 =	simm.s32 $0x64;
	s4 =	sadd.s32 $0x400, s7;
	s7 =	simm.s32 $0x3  }
.LBB2_1:
0xd: {  	[tilespmem:s2], [sflag:$0x3] =	stream.linear.gather [hbm4b:s4+s2], $0x6800, $0x38;
	[tilespmem:$0xEC00] =	vst v63  }
0xe: {  	_ =	swait.ge [sflag:s7], $0x6800  }
0xf: {  	[sflag:s7] =	ssyncset.done $0x0  }
0x10: {  	[sflag:s7] =	ssyncadd.s32 $0xFFFF9800  }
0x11: {  	[tilespmem:s9], [sflag:$0x1] =	stream.indirect.gather [hbm4b:s3+s8], $0x40, s2, s8, $0xb8;
	[tilespmem:$0xEC00] =	vst v63  }
0x12: {  	s18 =	simm.s32 $0x0  }
0x13: {  	[tilespmem:s11], [sflag:$0x1] =	stream.indirect.gather [hbm4b:s3+s8], $0x40, s10, s8, $0xb8;
	[tilespmem:$0xEC00] =	vst v63  }
.LBB2_2:
0x14: {  	s19 =	sshllo.u32 s18, $0x1  }
0x15: {  	s20 =	smul.u32 $0x340, s19;
	_ =	sdelay $0x1  }
0x16: {  	s20 =	sshra.s32 s20, $0x2  }
0x17: {  	[tilespmem:s12], [sflag:$0x2] =	stream.indirect.gather [hbm4b:s3+s8], $0x40, s20, s8, $0xb8;
	[tilespmem:$0xEC00] =	vst v63  }
0x18: {  	s20 =	sadd.s32 $0x68, s20  }
0x19: {  	[tilespmem:s13], [sflag:$0x2] =	stream.indirect.gather [hbm4b:s3+s8], $0x40, s20, s8, $0xb8;
	[tilespmem:$0xEC00] =	vst v63  }
0x1a: {  	_ =	swait.ge [sflag:s14], $0x1900  }
0x1b: {  	[sflag:s14] =	ssyncset.done $0x0  }
0x1c: {  	[sflag:s14] =	ssyncadd.s32 $0xFFFFE700  }
0x1d: {  	_ =	swait.ge [sflag:s14], $0x1900  }
0x1e: {  	[sflag:s14] =	ssyncset.done $0x0  }
0x1f: {  	s20 =	simm.s32 $0x20;
	[sflag:s14] =	ssyncadd.s32 $0xFFFFE700  }
0x20: {  	v6 =	vld [tilespmem:s20+$0x80E0]  }
0x21: {  	v2 =	vld [tilespmem:s20+$0x80F0]  }
0x22: {  	v5 =	vld [tilespmem:s20+$0x67E0]  }
0x23: {  	v8 =	vimm.f32 $0.0e+00;
	v4 =	vld [tilespmem:s20+$0x67F0]  }
0x24: {  	s21 =	simm.s32 $0x180;
	v7 =	vimm.f32 $0.0e+00;
	v3 =	vimm.f32 $0.0e+00;
	v0 =	vimm.f32 $0.0e+00;
	v1 =	vld [tilespmem:s20+$0x6800]  }
.LBB2_3:
0x25: {  	p0 =	sne.s32 s21, $0x6380;
	v9 =	vld [tilespmem:s20+$0x6810];
	v10 =	vmov v6  }
0x26: {  	v11 =	vld [tilespmem:s20+$0x8100];
	v12 =	vmov v2  }
0x27: {  	v13 =	vld [tilespmem:s20+$0x8110];
	s20 =	sshra.s32 s21, $0x2  }
.Ltmp0:
0x28: {  	v6 =	vld [tilespmem:s20+$0x80E0];
	(pc) =	sbr.rel @p0 .LBB2_3-.Ltmp0, $4  }
0x29: {  	v8 =	vadd.f32 v5, v8;
	v7 =	vadd.f32 v4, v7;
	v2 =	vld [tilespmem:s20+$0x80F0]  }
0x2a: {  	v3 =	vadd.f32 v1, v3;
	v5 =	vld [tilespmem:s20+$0x67E0];
	v0 =	vadd.f32 v9, v0  }
0x2b: {  	v8 =	vadd.f32 v10, v8;
	v7 =	vadd.f32 v12, v7;
	v4 =	vld [tilespmem:s20+$0x67F0]  }
0x2c: {  	s21 =	sadd.s32 $0x100, s21;
	v3 =	vadd.f32 v11, v3;
	v1 =	vld [tilespmem:s20+$0x6800];
	v0 =	vadd.f32 v13, v0  }
0x2d: {  	_ =	sdelay $0x1  }
0x2e: {  	v5 =	vadd.f32 v5, v8;
	_ =	sdelay $0x1  }
0x2f: {  	v5 =	vadd.f32 v6, v5;
	_ =	sdelay $0x1  }
0x30: {  	v5 =	vmul.f32 $4.999999890e-03, v5;
	_ =	sdelay $0x1  }
0x31: {  	v5 =	vsub.f32 $0.0e+00, v5;
	_ =	sdelay $0x1  }
0x32: {  	v5 =	vmul.f32 $1.442695020e+00, v5;
	_ =	sdelay $0x1  }
0x33: {  	(erf) = vpow2.f32 v5;
	_ =	sdelay $0x2  }
0x34: {  	v4 =	vadd.f32 v4, v7;
	_ =	sdelay $0x1  }
0x35: {  	v2 =	vadd.f32 v2, v4;
	_ =	sdelay $0x1  }
0x36: {  	v2 =	vmul.f32 $4.999999890e-03, v2;
	_ =	sdelay $0x1  }
0x37: {  	v2 =	vsub.f32 $0.0e+00, v2;
	v4 =	vpop (erf)  }
0x38: {  	v4 =	vadd.f32 $1.000000000e+00, v4  }
0x39: {  	v2 =	vmul.f32 $1.442695020e+00, v2  }
0x3a: {  	(erf) = vrcp.f32 v4  }
0x3b: {  	v4 =	vld [tilespmem:s20+$0x8100];
	(erf) = vpow2.f32 v2;
	_ =	sdelay $0x2  }
0x3c: {  	v1 =	vadd.f32 v1, v3;
	_ =	sdelay $0x1  }
0x3d: {  	v1 =	vadd.f32 v4, v1;
	_ =	sdelay $0x1  }
0x3e: {  	v1 =	vmul.f32 $4.999999890e-03, v1  }
0x3f: {  	v2 =	vpop (erf)  }
0x40: {  	v1 =	vsub.f32 $0.0e+00, v1;
	v3 =	vpop (erf)  }
0x41: {  	v3 =	vadd.f32 $1.000000000e+00, v3  }
0x42: {  	v4 =	vld [tilespmem:s20+$0x6810];
	v1 =	vmul.f32 $1.442695020e+00, v1  }
0x43: {  	(erf) = vrcp.f32 v3  }
0x44: {  	v3 =	vld [tilespmem:s20+$0x8110];
	(erf) = vpow2.f32 v1;
	_ =	sdelay $0x2  }
0x45: {  	v0 =	vadd.f32 v4, v0;
	_ =	sdelay $0x1  }
0x46: {  	v0 =	vadd.f32 v3, v0;
	_ =	sdelay $0x1  }
0x47: {  	v0 =	vmul.f32 $4.999999890e-03, v0  }
0x48: {  	v1 =	vpop (erf)  }
0x49: {  	v0 =	vsub.f32 $0.0e+00, v0;
	v3 =	vpop (erf)  }
0x4a: {  	v3 =	vadd.f32 $1.000000000e+00, v3  }
0x4b: {  	v0 =	vmul.f32 $1.442695020e+00, v0  }
0x4c: {  	(erf) = vrcp.f32 v3  }
0x4d: {  	(erf) = vpow2.f32 v0;
	_ =	sdelay $0x7  }
0x4e: {  	v0 =	vpop (erf)  }
0x4f: {  	v3 =	vpop (erf)  }
0x50: {  	v3 =	vadd.f32 $1.000000000e+00, v3;
	_ =	sdelay $0x1  }
0x51: {  	(erf) = vrcp.f32 v3;
	_ =	sdelay $0x4  }
0x52: {  	s31 =	sshll.u32 s18, $0x7  }
0x53: {  	p0 =	seq.s32 s18, $0x3F;
	s20 =	sand.u32 $0x3FFFFF80, s31  }
0x54: {  	s21 =	smul.u32 @!p0 $0x680, s18;
	[tilespmem:s20+$0xCC00] =	vst v2  }
0x55: {  	[tilespmem:s20+$0xCC10] =	vst v1  }
0x56: {  	s21 =	sshra.s32 @!p0 s21, $0x2;
	[tilespmem:s20+$0xCC20] =	vst v0;
	v0 =	vpop (erf)  }
0x57: {  	s22 =	simm.s32 @!p0 $0x64;
	s23 =	simm.s32 @!p0 $0x6800;
	[tilespmem:s20+$0xCC30] =	vst v0;
	s20 =	sadd.s32 @!p0 $0x1A0, s21  }
0x58: {  	[tilespmem:s23], [sflag:$0x1] =	stream.indirect.gather @!p0 [hbm4b:s3+s22], $0x40, s20, s22, $0xb8;
	[tilespmem:$0xEC00] =	vst v63  }
0x59: {  	s20 =	sadd.s32 @!p0 $0x208, s21;
	s21 =	simm.s32 @!p0 $0x8100  }
0x5a: {  	[tilespmem:s21], [sflag:$0x1] =	stream.indirect.gather @!p0 [hbm4b:s3+s22], $0x40, s20, s22, $0xb8;
	[tilespmem:$0xEC00] =	vst v63  }
0x5b: {  	_ =	swait.ge [sflag:s15], $0x1900  }
0x5c: {  	[sflag:s15] =	ssyncset.done $0x0  }
0x5d: {  	[sflag:s15] =	ssyncadd.s32 $0xFFFFE700  }
0x5e: {  	_ =	swait.ge [sflag:s15], $0x1900  }
0x5f: {  	[sflag:s15] =	ssyncset.done $0x0  }
0x60: {  	s20 =	simm.s32 $0x0;
	[sflag:s15] =	ssyncadd.s32 $0xFFFFE700  }
0x61: {  	v6 =	vld [tilespmem:s20+$0xB300]  }
0x62: {  	v2 =	vld [tilespmem:s20+$0xB310]  }
0x63: {  	v5 =	vld [tilespmem:s20+$0x9A00]  }
0x64: {  	v8 =	vimm.f32 $0.0e+00;
	v4 =	vld [tilespmem:s20+$0x9A10]  }
0x65: {  	v7 =	vimm.f32 $0.0e+00;
	v3 =	vimm.f32 $0.0e+00;
	v0 =	vimm.f32 $0.0e+00;
	s21 =	simm.s32 $0x100;
	v1 =	vld [tilespmem:s20+$0x9A20]  }
.LBB2_5:
0x66: {  	p0 =	sne.s32 s21, $0x6300;
	v9 =	vld [tilespmem:s20+$0x9A30];
	v10 =	vmov v6  }
0x67: {  	v11 =	vld [tilespmem:s20+$0xB320];
	v12 =	vmov v2  }
0x68: {  	v13 =	vld [tilespmem:s20+$0xB330];
	s20 =	sshra.s32 s21, $0x2  }
.Ltmp1:
0x69: {  	v6 =	vld [tilespmem:s20+$0xB300];
	(pc) =	sbr.rel @p0 .LBB2_5-.Ltmp1, $4  }
0x6a: {  	v8 =	vadd.f32 v5, v8;
	v7 =	vadd.f32 v4, v7;
	v2 =	vld [tilespmem:s20+$0xB310]  }
0x6b: {  	v3 =	vadd.f32 v1, v3;
	v5 =	vld [tilespmem:s20+$0x9A00];
	v0 =	vadd.f32 v9, v0  }
0x6c: {  	v8 =	vadd.f32 v10, v8;
	v7 =	vadd.f32 v12, v7;
	v4 =	vld [tilespmem:s20+$0x9A10]  }
0x6d: {  	s21 =	sadd.s32 $0x100, s21;
	v3 =	vadd.f32 v11, v3;
	v1 =	vld [tilespmem:s20+$0x9A20];
	v0 =	vadd.f32 v13, v0  }
0x6e: {  	_ =	sdelay $0x1  }
0x6f: {  	v5 =	vadd.f32 v5, v8;
	_ =	sdelay $0x1  }
0x70: {  	v5 =	vadd.f32 v6, v5;
	_ =	sdelay $0x1  }
0x71: {  	v5 =	vmul.f32 $4.999999890e-03, v5;
	_ =	sdelay $0x1  }
0x72: {  	v5 =	vsub.f32 $0.0e+00, v5;
	_ =	sdelay $0x1  }
0x73: {  	v5 =	vmul.f32 $1.442695020e+00, v5;
	_ =	sdelay $0x1  }
0x74: {  	(erf) = vpow2.f32 v5;
	_ =	sdelay $0x2  }
0x75: {  	v4 =	vadd.f32 v4, v7;
	_ =	sdelay $0x1  }
0x76: {  	v2 =	vadd.f32 v2, v4;
	_ =	sdelay $0x1  }
0x77: {  	v2 =	vmul.f32 $4.999999890e-03, v2;
	_ =	sdelay $0x1  }
0x78: {  	v2 =	vsub.f32 $0.0e+00, v2;
	v53 =	vpop (erf)  }
0x79: {  	v4 =	vadd.f32 $1.000000000e+00, v53  }
0x7a: {  	v2 =	vmul.f32 $1.442695020e+00, v2  }
0x7b: {  	(erf) = vrcp.f32 v4  }
0x7c: {  	v54 =	vld [tilespmem:s20+$0xB320];
	(erf) = vpow2.f32 v2;
	_ =	sdelay $0x2  }
0x7d: {  	v1 =	vadd.f32 v1, v3;
	_ =	sdelay $0x1  }
0x7e: {  	v1 =	vadd.f32 v54, v1;
	_ =	sdelay $0x1  }
0x7f: {  	v1 =	vmul.f32 $4.999999890e-03, v1  }
0x80: {  	v55 =	vpop (erf)  }
0x81: {  	v1 =	vsub.f32 $0.0e+00, v1;
	v56 =	vpop (erf)  }
0x82: {  	v3 =	vadd.f32 $1.000000000e+00, v56  }
0x83: {  	v57 =	vld [tilespmem:s20+$0x9A30];
	v1 =	vmul.f32 $1.442695020e+00, v1  }
0x84: {  	(erf) = vrcp.f32 v3  }
0x85: {  	v58 =	vld [tilespmem:s20+$0xB330];
	(erf) = vpow2.f32 v1;
	_ =	sdelay $0x2  }
0x86: {  	v0 =	vadd.f32 v57, v0;
	_ =	sdelay $0x1  }
0x87: {  	v0 =	vadd.f32 v58, v0;
	_ =	sdelay $0x1  }
0x88: {  	v0 =	vmul.f32 $4.999999890e-03, v0  }
0x89: {  	v59 =	vpop (erf)  }
0x8a: {  	v0 =	vsub.f32 $0.0e+00, v0;
	v60 =	vpop (erf)  }
0x8b: {  	v3 =	vadd.f32 $1.000000000e+00, v60  }
0x8c: {  	v0 =	vmul.f32 $1.442695020e+00, v0  }
0x8d: {  	(erf) = vrcp.f32 v3  }
0x8e: {  	(erf) = vpow2.f32 v0;
	_ =	sdelay $0x7  }
0x8f: {  	v61 =	vpop (erf)  }
0x90: {  	v62 =	vpop (erf)  }
0x91: {  	v3 =	vadd.f32 $1.000000000e+00, v62;
	_ =	sdelay $0x1  }
0x92: {  	(erf) = vrcp.f32 v3;
	_ =	sdelay $0x3  }
0x93: {  	s18 =	sadd.s32 $0x1, s18  }
0x94: {  	s19 =	sshll.u32 s19, $0x6;
	p0 =	sne.s32 s18, $0x40  }
.Ltmp2:
0x95: {  	s19 =	sand.u32 $0x3FFFFFC0, s19;
	(pc) =	sbr.rel @p0 .LBB2_2-.Ltmp2, $4  }
0x96: {  	[tilespmem:s19+$0xCC00] =	vst v55  }
0x97: {  	[tilespmem:s19+$0xCC10] =	vst v59  }
0x98: {  	[tilespmem:s19+$0xCC20] =	vst v61;
	v63 =	vpop (erf)  }
0x99: {  	[tilespmem:s19+$0xCC30] =	vst v63  }
0x9a: {  	s17 =	sadd.s32 $0x1, s17  }
0x9b: {  	p0 =	sne.s32 s17, s6  }
.Ltmp3:
0x9c: {  	_ = 	snop;
	(pc) =	sbr.rel @p0 .LBB2_1-.Ltmp3, $4  }
0x9d: {  	[hbm4b:s5+s2] =	stream.linear.scatter [tilespmem:s16], [sflag:$0x3], $0x2000, $0x38;
	[tilespmem:$0xEC00] =	vst v63  }
0x9e: {  	_ =	swait.ge [sflag:s7], $0x2000  }
0x9f: {  	[sflag:s7] =	ssyncset.done $0x0  }
0xa0: {  	[sflag:s7] =	ssyncadd.s32 $0xFFFFE000  }
0xa1: {  	_ =	sfence.sel $0x180000  }
0xa2: {  	[bflag:$0x0] =	sbarrier.arrive $0xFFFF  }
0xa3: {  	p0 =	sne.s32 s0, $0x0;
	_ =	strace $0x90000047  }
0xa4: {  	s0 =	sadd.s32 @!p0 $0x100000, s1;
	[bflag:$0x2] =	sbarrier.arrive $0xFFFF  }
0xa5: {  	[sflag:s0] =	ssyncadd.tile.s32 @!p0 $0x1;
	_ =	shalt  }
.Lfunc_end2:
_tile_overlayer_lowered:
.L_overlay_start_2:
0xa6: {  	(tag) =	ssettag $0x2  }
0xa7: {  	s0 =	rddreg [dreg:$0x0];
	s2 =	stileid.u32  }
0xa8: {  	s1 =	rddreg [dreg:$0x1];
	p0 =	sne.s32 s2, $0x0  }
0xa9: {  	s3 =	rddreg [dreg:$0x2];
	[bflag:$0x3] =	sbarrier.arrive $0xFFFF;
	s2 =	simm.s32 @!p0 $0x1C03  }
0xaa: {  	[timem:s3], [sflag:s2] =	dma.local @!p0 [hbm:s0], s1  }
0xab: {  	s0 =	simm.s32 @!p0 $0x3  }
0xac: {  	_ =	swait.ge @!p0 [sflag:s0], s1  }
0xad: {  	s1 =	ssub.s32 @!p0 $0x0, s1;
	[sflag:s0] =	ssyncset.done @!p0 $0x0  }
0xae: {  	[sflag:s0] =	ssyncadd.s32 @!p0 s1  }
0xaf: {  	[bflag:$0x3] =	sbarrier.arrive $0xFFFF  }
0xb0: {  	_ =	shalt  }

</sc_bundles>
